<compile_context>
chip_gen: v7x
topology: tpu7x:2x2x1
jax: 0.10.2.dev20260603
libtpu: 0.0.44.dev20260713+nightly
codegen_flags: <defaults>
</compile_context>

<pallas_src>
import functools

import jax
import jax.numpy as jnp
from jax import lax
from jax.experimental import pallas as pl
from jax.experimental.pallas import tpu as pltpu
from jax.experimental.pallas import tpu_sc as plsc

S = 7
B = 2
C = 20
LEN = 5 * B + C
BS = 64
L = 16
NS = 16
NSLAB = S * S
NG = BS // L
NU = NSLAB * NG
NBUF = 4

_f32 = jnp.float32


_INV_S = 1.0 / S


def _unit_losses(pvm, tvm, jv, bv):

    def pcol(c):
        return plsc.load_gather(pvm, [jv + c, bv])

    def tcol(c):
        return plsc.load_gather(tvm, [jv + c, bv])

    tc4 = tcol(4)
    tc9 = tcol(9)
    pc0 = pcol(4)
    pc1 = pcol(9)

    noo_f = jnp.where(tc4 == _f32(0.0), _f32(1.0), _f32(0.0))
    d0 = pc0 - tc4
    d1 = pc1 - tc9
    noo = _f32(0.5) * noo_f * (d0 * d0 + d1 * d1)

    coo = tc4 > _f32(0.0)

    def coo_fn():
        coo_f = jnp.where(coo, _f32(1.0), _f32(0.0))

        tx, ty, tw, th = tcol(0), tcol(1), tcol(2), tcol(3)
        t1x = tx * _f32(_INV_S) - _f32(0.5) * tw
        t2x = tx * _f32(_INV_S) + _f32(0.5) * tw
        t1y = ty * _f32(_INV_S) - _f32(0.5) * th
        t2y = ty * _f32(_INV_S) + _f32(0.5) * th
        a2 = (t2x - t1x) * (t2y - t1y)

        def iou(px, py, pw, ph):
            p1x = px * _f32(_INV_S) - _f32(0.5) * pw
            p2x = px * _f32(_INV_S) + _f32(0.5) * pw
            p1y = py * _f32(_INV_S) - _f32(0.5) * ph
            p2y = py * _f32(_INV_S) + _f32(0.5) * ph
            wx = jnp.maximum(
                jnp.minimum(p2x, t2x) - jnp.maximum(p1x, t1x), _f32(0.0))
            wy = jnp.maximum(
                jnp.minimum(p2y, t2y) - jnp.maximum(p1y, t1y), _f32(0.0))
            inter = wx * wy
            a1 = (p2x - p1x) * (p2y - p1y)
            denom = a1 + a2 - inter
            safe = jnp.where(coo, denom, _f32(1.0))
            return inter / safe

        iou0 = iou(pcol(0), pcol(1), pcol(2), pcol(3))
        iou1 = iou(pcol(5), pcol(6), pcol(7), pcol(8))
        max_iou = jnp.maximum(iou0, iou1)
        resp_c = jnp.where(iou1 > iou0, pc1, pc0)
        dc = resp_c - max_iou
        contain = dc * dc

        cls = jnp.zeros((L,), _f32)
        for c in range(C):
            d = pcol(10 + c) - tcol(10 + c)
            cls = cls + d * d

        return coo_f * (contain + cls)

    cnt = plsc.all_reduce_population_count(coo)
    obj = lax.cond(cnt[0] > 0, coo_fn, lambda: jnp.zeros((L,), _f32))
    return noo + obj


def _sc_body(pred_hbm, tgt_hbm, out_hbm, pvm, tvm, accvm, redvm, shared,
             sem_p, sem_t):
    sid = lax.axis_index("s")
    u0 = 12 * sid + jnp.minimum(sid, 4)
    cnt = jnp.where(sid < 4, 13, 12)
    slab0 = jnp.minimum(u0 // NG, NSLAB - NBUF)

    copies = []
    for j in range(NBUF):
        copies.append(pltpu.async_copy(
            pred_hbm.at[slab0 + j], pvm.at[pl.ds(j * LEN, LEN)], sem_p))
        copies.append(pltpu.async_copy(
            tgt_hbm.at[slab0 + j], tvm.at[pl.ds(j * LEN, LEN)], sem_t))
    for cp in copies:
        cp.wait()

    lane = lax.iota(jnp.int32, L)

    def unit_body(i, acc):
        u = u0 + i
        slab = u // NG
        jv = jnp.full((L,), (slab - slab0) * LEN, jnp.int32)
        bv = (u - slab * NG) * L + lane
        return acc + _unit_losses(pvm, tvm, jv, bv)

    accvm[...] = lax.fori_loop(0, cnt, unit_body, jnp.zeros((L,), _f32))

    pltpu.sync_copy(accvm, shared.at[pl.ds(sid * L, L)])
    plsc.subcore_barrier()

    @pl.when(sid == 0)
    def _():
        pltpu.sync_copy(shared, redvm)
        t = jnp.zeros((L,), _f32)
        for i in range(NS):
            t = t + redvm[pl.ds(i * L, L)]
        total = jnp.sum(t) * _f32(1.0 / BS)
        accvm[...] = jnp.full((L,), total, _f32)
        pltpu.sync_copy(accvm, out_hbm)


_mesh = plsc.VectorSubcoreMesh(
    core_axis_name="c", subcore_axis_name="s", num_cores=1)

_sc_yolo = functools.partial(
    pl.kernel,
    out_type=jax.ShapeDtypeStruct((L,), _f32),
    mesh=_mesh,
    compiler_params=pltpu.CompilerParams(
        needs_layout_passes=False, use_tc_tiling_on_sc=True),
    scratch_types=[
        pltpu.VMEM((NBUF * LEN, BS), _f32),
        pltpu.VMEM((NBUF * LEN, BS), _f32),
        pltpu.VMEM((L,), _f32),
        pltpu.VMEM((NS * L,), _f32),
        pltpu.VMEM_SHARED((NS * L,), _f32),
        pltpu.SemaphoreType.DMA,
        pltpu.SemaphoreType.DMA,
    ],
)(_sc_body)


def kernel(prediction, target):
    qp = jnp.transpose(prediction, (1, 2, 3, 0)).reshape(NSLAB, LEN, BS)
    qt = jnp.transpose(target, (1, 2, 3, 0)).reshape(NSLAB, LEN, BS)
    out = _sc_yolo(qp, qt)
    return out[0]

# --- scband reference (transcript-rebuilt; emitter-appended) ---
"""Pipeline reference for scband-yololoss-16286515986956 (READ-ONLY COPY).

The authoritative reference and input builder live on the scoring server;
editing this copy changes nothing except your own understanding.
"""

import jax, jax.numpy as jnp
import numpy as np

S = 7
B = 2
C = 20
LEN = 5 * B + C
BS = 64
L_COORD = 5.0
L_NOOBJ = 0.5


def setup_inputs(seed: int = 0) -> dict:
    key = jax.random.key(seed)
    k1, k2, k3 = jax.random.split(key, 3)
    prediction = jax.random.uniform(k1, (BS, S, S, LEN), dtype=jnp.float32)
    target = jax.random.uniform(k2, (BS, S, S, LEN), dtype=jnp.float32)
    obj = (jax.random.uniform(k3, (BS, S, S)) < 0.02).astype(jnp.float32)
    obj = obj.at[0, 0, 0].set(1.0)
    for b in range(B):
        target = target.at[..., b * 5 + 4].set(obj)
    return {"prediction": prediction, "target": target}


def _forward(prediction, target, coo_mask, noo_mask):
    N = prediction.shape[0]
    pred_flat = prediction.reshape(-1, LEN)
    tgt_flat = target.reshape(-1, LEN)
    box_pred = pred_flat[:, :5 * B]
    class_pred = pred_flat[:, 5 * B:]
    box_tgt = tgt_flat[:, :5 * B]
    class_tgt = tgt_flat[:, 5 * B:]
    n_cells = pred_flat.shape[0]
    bp = box_pred.reshape(n_cells, B, 5)
    bt = box_tgt.reshape(n_cells, B, 5)[:, 0, :]
    # [x, y, w, h] -> [x1, y1, x2, y2]
    p1 = bp[:, :, :2] / S - 0.5 * bp[:, :, 2:4]
    p2 = bp[:, :, :2] / S + 0.5 * bp[:, :, 2:4]
    t1 = bt[:, :2] / S - 0.5 * bt[:, 2:4]
    t2 = bt[:, :2] / S + 0.5 * bt[:, 2:4]
    # IOU between each of the B predicted boxes and the single target box per cell
    lt = jnp.maximum(p1, t1[:, None, :])
    rb = jnp.minimum(p2, t2[:, None, :])
    wh = jnp.clip(rb - lt, 0.0, None)
    inter = wh[..., 0] * wh[..., 1]
    a1 = (p2[..., 0] - p1[..., 0]) * (p2[..., 1] - p1[..., 1])
    a2 = ((t2[:, 0] - t1[:, 0]) * (t2[:, 1] - t1[:, 1]))[:, None]
    denom = a1 + a2 - inter
    safe_denom = jnp.where(coo_mask[:, None] > 0, denom, 1.0)
    iou = inter / safe_denom
    max_iou = jnp.max(iou, axis=1)
    max_idx = jnp.argmax(iou, axis=1)
    # responsible box confidence vs detached max IOU (torch used max_iou.data)
    pred_conf_resp = jnp.take_along_axis(bp[..., 4], max_idx[:, None], axis=1)[:, 0]
    contain_loss = jnp.sum(coo_mask * (pred_conf_resp - jax.lax.stop_gradient(max_iou)) ** 2)
    # no-object confidence loss
    conf_cols = jnp.asarray([i * 5 + 4 for i in range(B)])
    noo_pred_c = jnp.take(pred_flat, conf_cols, axis=1)
    noo_tgt_c = jnp.take(tgt_flat, conf_cols, axis=1)
    nooobj_loss = jnp.sum(noo_mask[:, None] * (noo_pred_c - noo_tgt_c) ** 2)
    # class loss
    class_loss = jnp.sum(coo_mask[:, None] * (class_pred - class_tgt) ** 2)
    loc_loss = 0.0
    not_response_loss = 0.0
    loss = L_COORD * loc_loss + contain_loss + L_NOOBJ * (not_response_loss + nooobj_loss) + class_loss
    return loss / N


def reference(prediction, target):
    conf = target[..., 4].reshape(-1)
    coo_mask = (conf > 0).astype(jnp.float32)
    noo_mask = (conf == 0).astype(jnp.float32)
    return _forward(prediction, target, coo_mask, noo_mask)

if __name__ == "__main__":
    import jax
    _d = setup_inputs()
    print(jax.jit(kernel)(*tuple(_d.values())))

</pallas_src>

<mosaic_0001>
#map = affine_map<(d0, d1) -> (0, 0, 0)>
#map1 = affine_map<(d0, d1) -> (0)>
module attributes {stable_mosaic.version = 14 : i64} {
  func.func @_sc_body(%arg0: i32, %arg1: i32, %arg2: memref<49x30x64xf32, #tpu.memory_space<hbm>>, %arg3: memref<49x30x64xf32, #tpu.memory_space<hbm>>, %arg4: memref<16xf32, #tpu.memory_space<hbm>>, %arg5: memref<120x64xf32, #tpu.memory_space<vmem>>, %arg6: memref<120x64xf32, #tpu.memory_space<vmem>>, %arg7: memref<16xf32, #tpu.memory_space<vmem>>, %arg8: memref<256xf32, #tpu.memory_space<vmem>>, %arg9: memref<256xf32, #tpu.memory_space<vmem_shared>>, %arg10: memref<!tpu.dma_semaphore, #tpu.memory_space<semaphore_mem>>, %arg11: memref<!tpu.dma_semaphore, #tpu.memory_space<semaphore_mem>>) attributes {dimension_semantics = [#tpu.dimension_semantics<core_parallel>, #tpu.dimension_semantics<subcore_parallel>], iteration_bounds = array<i64: 1, 16>, scalar_prefetch = 0 : i64, scratch_operands = 7 : i64, tpu.core_type = #tpu.core_type<sc_vector_subcore>, window_params = [{transform_indices = #map}, {transform_indices = #map}, {transform_indices = #map1}]} {
    %mul3A = arith.constant 12 : i32
    %mul3A_0 = arith.muli %mul3A, %arg1 : i32
    %min3A = arith.constant 4 : i32
    %min3A_1 = arith.minsi %arg1, %min3A : i32
    %add3A = arith.addi %mul3A_0, %min3A_1 : i32
    %lt3A = arith.constant 4 : i32
    %lt3A_2 = arith.cmpi slt, %arg1, %lt3A : i32
    %jit3A = arith.constant 13 : i32
    %jit3A_3 = arith.constant 12 : i32
    %select_n3A = arith.select %lt3A_2, %jit3A, %jit3A_3 : i32
    %jit3A_4 = arith.constant 4 : i32
    %div3A = arith.divsi %add3A, %jit3A_4 : i32
    %sign3A = arith.constant 0 : i32
    %sign3A_5 = arith.cmpi sgt, %add3A, %sign3A : i32
    %sign3A_6 = arith.extui %sign3A_5 : i1 to i32
    %sign3A_7 = arith.constant 0 : i32
    %sign3A_8 = arith.cmpi slt, %add3A, %sign3A_7 : i32
    %sign3A_9 = arith.extui %sign3A_8 : i1 to i32
    %sign3A_10 = arith.subi %sign3A_6, %sign3A_9 : i32
    %sign3A_11 = arith.constant 0 : i32
    %sign3A_12 = arith.cmpi sgt, %jit3A_4, %sign3A_11 : i32
    %sign3A_13 = arith.extui %sign3A_12 : i1 to i32
    %sign3A_14 = arith.constant 0 : i32
    %sign3A_15 = arith.cmpi slt, %jit3A_4, %sign3A_14 : i32
    %sign3A_16 = arith.extui %sign3A_15 : i1 to i32
    %sign3A_17 = arith.subi %sign3A_13, %sign3A_16 : i32
    %ne3A = arith.cmpi ne, %sign3A_10, %sign3A_17 : i32
    %rem3A = arith.remsi %add3A, %jit3A_4 : i32
    %ne3A_18 = arith.constant 0 : i32
    %ne3A_19 = arith.cmpi ne, %rem3A, %ne3A_18 : i32
    %and3A = arith.andi %ne3A, %ne3A_19 : i1
    %sub3A = arith.constant 1 : i32
    %sub3A_20 = arith.subi %div3A, %sub3A : i32
    %select_n3A_21 = arith.select %and3A, %sub3A_20, %div3A : i32
    %min3A_22 = arith.constant 45 : i32
    %min3A_23 = arith.minsi %select_n3A_21, %min3A_22 : i32
    %add3A_24 = arith.constant 0 : i32
    %add3A_25 = arith.addi %min3A_23, %add3A_24 : i32
    %dma_start3A = arith.constant 0 : i32
    %dma_start3A_26 = arith.constant 0 : i32
    %dma_start3A_27 = tpu.memref_slice %arg5[%dma_start3A, %dma_start3A_26] : memref<120x64xf32, #tpu.memory_space<vmem>> -> memref<30x64xf32, #tpu.memory_space<vmem>>
    %dma_start3A_28 = arith.constant 0 : i32
    %dma_start3A_29 = arith.constant 0 : i32
    %dma_start3A_30 = tpu.memref_slice %arg2[%add3A_25, %dma_start3A_28, %dma_start3A_29] : memref<49x30x64xf32, #tpu.memory_space<hbm>> -> memref<1x30x64xf32, #tpu.memory_space<hbm>>
    %dma_start3A_31 = tpu.memref_squeeze %dma_start3A_30 : memref<1x30x64xf32, #tpu.memory_space<hbm>> -> memref<30x64xf32, #tpu.memory_space<hbm>>
    %dma_start3A_32 = arith.constant 0 : i32
    %dma_start3A_33 = arith.constant 0 : i32
    %dma_start3A_34 = tpu.memref_slice %arg5[%dma_start3A_32, %dma_start3A_33] : memref<120x64xf32, #tpu.memory_space<vmem>> -> memref<30x64xf32, #tpu.memory_space<vmem>>
    %dma_start3A_35 = arith.constant 0 : i32
    %dma_start3A_36 = arith.constant 0 : i32
    %dma_start3A_37 = tpu.memref_slice %arg2[%add3A_25, %dma_start3A_35, %dma_start3A_36] : memref<49x30x64xf32, #tpu.memory_space<hbm>> -> memref<1x30x64xf32, #tpu.memory_space<hbm>>
    %dma_start3A_38 = tpu.memref_squeeze %dma_start3A_37 : memref<1x30x64xf32, #tpu.memory_space<hbm>> -> memref<30x64xf32, #tpu.memory_space<hbm>>
    tpu.enqueue_dma source(%dma_start3A_38 : memref<30x64xf32, #tpu.memory_space<hbm>>) target(%dma_start3A_34 : memref<30x64xf32, #tpu.memory_space<vmem>>) target_semaphore(%arg10 : memref<!tpu.dma_semaphore, #tpu.memory_space<semaphore_mem>>)
    %add3A_39 = arith.constant 0 : i32
    %add3A_40 = arith.addi %min3A_23, %add3A_39 : i32
    %dma_start3A_41 = arith.constant 0 : i32
    %dma_start3A_42 = arith.constant 0 : i32
    %dma_start3A_43 = tpu.memref_slice %arg6[%dma_start3A_41, %dma_start3A_42] : memref<120x64xf32, #tpu.memory_space<vmem>> -> memref<30x64xf32, #tpu.memory_space<vmem>>
    %dma_start3A_44 = arith.constant 0 : i32
    %dma_start3A_45 = arith.constant 0 : i32
    %dma_start3A_46 = tpu.memref_slice %arg3[%add3A_40, %dma_start3A_44, %dma_start3A_45] : memref<49x30x64xf32, #tpu.memory_space<hbm>> -> memref<1x30x64xf32, #tpu.memory_space<hbm>>
    %dma_start3A_47 = tpu.memref_squeeze %dma_start3A_46 : memref<1x30x64xf32, #tpu.memory_space<hbm>> -> memref<30x64xf32, #tpu.memory_space<hbm>>
    %dma_start3A_48 = arith.constant 0 : i32
    %dma_start3A_49 = arith.constant 0 : i32
    %dma_start3A_50 = tpu.memref_slice %arg6[%dma_start3A_48, %dma_start3A_49] : memref<120x64xf32, #tpu.memory_space<vmem>> -> memref<30x64xf32, #tpu.memory_space<vmem>>
    %dma_start3A_51 = arith.constant 0 : i32
    %dma_start3A_52 = arith.constant 0 : i32
    %dma_start3A_53 = tpu.memref_slice %arg3[%add3A_40, %dma_start3A_51, %dma_start3A_52] : memref<49x30x64xf32, #tpu.memory_space<hbm>> -> memref<1x30x64xf32, #tpu.memory_space<hbm>>
    %dma_start3A_54 = tpu.memref_squeeze %dma_start3A_53 : memref<1x30x64xf32, #tpu.memory_space<hbm>> -> memref<30x64xf32, #tpu.memory_space<hbm>>
    tpu.enqueue_dma source(%dma_start3A_54 : memref<30x64xf32, #tpu.memory_space<hbm>>) target(%dma_start3A_50 : memref<30x64xf32, #tpu.memory_space<vmem>>) target_semaphore(%arg11 : memref<!tpu.dma_semaphore, #tpu.memory_space<semaphore_mem>>)
    %add3A_55 = arith.constant 1 : i32
    %add3A_56 = arith.addi %min3A_23, %add3A_55 : i32
    %dma_start3A_57 = arith.constant 30 : i32
    %dma_start3A_58 = arith.constant 0 : i32
    %dma_start3A_59 = tpu.memref_slice %arg5[%dma_start3A_57, %dma_start3A_58] : memref<120x64xf32, #tpu.memory_space<vmem>> -> memref<30x64xf32, #tpu.memory_space<vmem>>
    %dma_start3A_60 = arith.constant 0 : i32
    %dma_start3A_61 = arith.constant 0 : i32
    %dma_start3A_62 = tpu.memref_slice %arg2[%add3A_56, %dma_start3A_60, %dma_start3A_61] : memref<49x30x64xf32, #tpu.memory_space<hbm>> -> memref<1x30x64xf32, #tpu.memory_space<hbm>>
    %dma_start3A_63 = tpu.memref_squeeze %dma_start3A_62 : memref<1x30x64xf32, #tpu.memory_space<hbm>> -> memref<30x64xf32, #tpu.memory_space<hbm>>
    %dma_start3A_64 = arith.constant 30 : i32
    %dma_start3A_65 = arith.constant 0 : i32
    %dma_start3A_66 = tpu.memref_slice %arg5[%dma_start3A_64, %dma_start3A_65] : memref<120x64xf32, #tpu.memory_space<vmem>> -> memref<30x64xf32, #tpu.memory_space<vmem>>
    %dma_start3A_67 = arith.constant 0 : i32
    %dma_start3A_68 = arith.constant 0 : i32
    %dma_start3A_69 = tpu.memref_slice %arg2[%add3A_56, %dma_start3A_67, %dma_start3A_68] : memref<49x30x64xf32, #tpu.memory_space<hbm>> -> memref<1x30x64xf32, #tpu.memory_space<hbm>>
    %dma_start3A_70 = tpu.memref_squeeze %dma_start3A_69 : memref<1x30x64xf32, #tpu.memory_space<hbm>> -> memref<30x64xf32, #tpu.memory_space<hbm>>
    tpu.enqueue_dma source(%dma_start3A_70 : memref<30x64xf32, #tpu.memory_space<hbm>>) target(%dma_start3A_66 : memref<30x64xf32, #tpu.memory_space<vmem>>) target_semaphore(%arg10 : memref<!tpu.dma_semaphore, #tpu.memory_space<semaphore_mem>>)
    %add3A_71 = arith.constant 1 : i32
    %add3A_72 = arith.addi %min3A_23, %add3A_71 : i32
    %dma_start3A_73 = arith.constant 30 : i32
    %dma_start3A_74 = arith.constant 0 : i32
    %dma_start3A_75 = tpu.memref_slice %arg6[%dma_start3A_73, %dma_start3A_74] : memref<120x64xf32, #tpu.memory_space<vmem>> -> memref<30x64xf32, #tpu.memory_space<vmem>>
    %dma_start3A_76 = arith.constant 0 : i32
    %dma_start3A_77 = arith.constant 0 : i32
    %dma_start3A_78 = tpu.memref_slice %arg3[%add3A_72, %dma_start3A_76, %dma_start3A_77] : memref<49x30x64xf32, #tpu.memory_space<hbm>> -> memref<1x30x64xf32, #tpu.memory_space<hbm>>
    %dma_start3A_79 = tpu.memref_squeeze %dma_start3A_78 : memref<1x30x64xf32, #tpu.memory_space<hbm>> -> memref<30x64xf32, #tpu.memory_space<hbm>>
    %dma_start3A_80 = arith.constant 30 : i32
    %dma_start3A_81 = arith.constant 0 : i32
    %dma_start3A_82 = tpu.memref_slice %arg6[%dma_start3A_80, %dma_start3A_81] : memref<120x64xf32, #tpu.memory_space<vmem>> -> memref<30x64xf32, #tpu.memory_space<vmem>>
    %dma_start3A_83 = arith.constant 0 : i32
    %dma_start3A_84 = arith.constant 0 : i32
    %dma_start3A_85 = tpu.memref_slice %arg3[%add3A_72, %dma_start3A_83, %dma_start3A_84] : memref<49x30x64xf32, #tpu.memory_space<hbm>> -> memref<1x30x64xf32, #tpu.memory_space<hbm>>
    %dma_start3A_86 = tpu.memref_squeeze %dma_start3A_85 : memref<1x30x64xf32, #tpu.memory_space<hbm>> -> memref<30x64xf32, #tpu.memory_space<hbm>>
    tpu.enqueue_dma source(%dma_start3A_86 : memref<30x64xf32, #tpu.memory_space<hbm>>) target(%dma_start3A_82 : memref<30x64xf32, #tpu.memory_space<vmem>>) target_semaphore(%arg11 : memref<!tpu.dma_semaphore, #tpu.memory_space<semaphore_mem>>)
    %add3A_87 = arith.constant 2 : i32
    %add3A_88 = arith.addi %min3A_23, %add3A_87 : i32
    %dma_start3A_89 = arith.constant 60 : i32
    %dma_start3A_90 = arith.constant 0 : i32
    %dma_start3A_91 = tpu.memref_slice %arg5[%dma_start3A_89, %dma_start3A_90] : memref<120x64xf32, #tpu.memory_space<vmem>> -> memref<30x64xf32, #tpu.memory_space<vmem>>
    %dma_start3A_92 = arith.constant 0 : i32
    %dma_start3A_93 = arith.constant 0 : i32
    %dma_start3A_94 = tpu.memref_slice %arg2[%add3A_88, %dma_start3A_92, %dma_start3A_93] : memref<49x30x64xf32, #tpu.memory_space<hbm>> -> memref<1x30x64xf32, #tpu.memory_space<hbm>>
    %dma_start3A_95 = tpu.memref_squeeze %dma_start3A_94 : memref<1x30x64xf32, #tpu.memory_space<hbm>> -> memref<30x64xf32, #tpu.memory_space<hbm>>
    %dma_start3A_96 = arith.constant 60 : i32
    %dma_start3A_97 = arith.constant 0 : i32
    %dma_start3A_98 = tpu.memref_slice %arg5[%dma_start3A_96, %dma_start3A_97] : memref<120x64xf32, #tpu.memory_space<vmem>> -> memref<30x64xf32, #tpu.memory_space<vmem>>
    %dma_start3A_99 = arith.constant 0 : i32
    %dma_start3A_100 = arith.constant 0 : i32
    %dma_start3A_101 = tpu.memref_slice %arg2[%add3A_88, %dma_start3A_99, %dma_start3A_100] : memref<49x30x64xf32, #tpu.memory_space<hbm>> -> memref<1x30x64xf32, #tpu.memory_space<hbm>>
    %dma_start3A_102 = tpu.memref_squeeze %dma_start3A_101 : memref<1x30x64xf32, #tpu.memory_space<hbm>> -> memref<30x64xf32, #tpu.memory_space<hbm>>
    tpu.enqueue_dma source(%dma_start3A_102 : memref<30x64xf32, #tpu.memory_space<hbm>>) target(%dma_start3A_98 : memref<30x64xf32, #tpu.memory_space<vmem>>) target_semaphore(%arg10 : memref<!tpu.dma_semaphore, #tpu.memory_space<semaphore_mem>>)
    %add3A_103 = arith.constant 2 : i32
    %add3A_104 = arith.addi %min3A_23, %add3A_103 : i32
    %dma_start3A_105 = arith.constant 60 : i32
    %dma_start3A_106 = arith.constant 0 : i32
    %dma_start3A_107 = tpu.memref_slice %arg6[%dma_start3A_105, %dma_start3A_106] : memref<120x64xf32, #tpu.memory_space<vmem>> -> memref<30x64xf32, #tpu.memory_space<vmem>>
    %dma_start3A_108 = arith.constant 0 : i32
    %dma_start3A_109 = arith.constant 0 : i32
    %dma_start3A_110 = tpu.memref_slice %arg3[%add3A_104, %dma_start3A_108, %dma_start3A_109] : memref<49x30x64xf32, #tpu.memory_space<hbm>> -> memref<1x30x64xf32, #tpu.memory_space<hbm>>
    %dma_start3A_111 = tpu.memref_squeeze %dma_start3A_110 : memref<1x30x64xf32, #tpu.memory_space<hbm>> -> memref<30x64xf32, #tpu.memory_space<hbm>>
    %dma_start3A_112 = arith.constant 60 : i32
    %dma_start3A_113 = arith.constant 0 : i32
    %dma_start3A_114 = tpu.memref_slice %arg6[%dma_start3A_112, %dma_start3A_113] : memref<120x64xf32, #tpu.memory_space<vmem>> -> memref<30x64xf32, #tpu.memory_space<vmem>>
    %dma_start3A_115 = arith.constant 0 : i32
    %dma_start3A_116 = arith.constant 0 : i32
    %dma_start3A_117 = tpu.memref_slice %arg3[%add3A_104, %dma_start3A_115, %dma_start3A_116] : memref<49x30x64xf32, #tpu.memory_space<hbm>> -> memref<1x30x64xf32, #tpu.memory_space<hbm>>
    %dma_start3A_118 = tpu.memref_squeeze %dma_start3A_117 : memref<1x30x64xf32, #tpu.memory_space<hbm>> -> memref<30x64xf32, #tpu.memory_space<hbm>>
    tpu.enqueue_dma source(%dma_start3A_118 : memref<30x64xf32, #tpu.memory_space<hbm>>) target(%dma_start3A_114 : memref<30x64xf32, #tpu.memory_space<vmem>>) target_semaphore(%arg11 : memref<!tpu.dma_semaphore, #tpu.memory_space<semaphore_mem>>)
    %add3A_119 = arith.constant 3 : i32
    %add3A_120 = arith.addi %min3A_23, %add3A_119 : i32
    %dma_start3A_121 = arith.constant 90 : i32
    %dma_start3A_122 = arith.constant 0 : i32
    %dma_start3A_123 = tpu.memref_slice %arg5[%dma_start3A_121, %dma_start3A_122] : memref<120x64xf32, #tpu.memory_space<vmem>> -> memref<30x64xf32, #tpu.memory_space<vmem>>
    %dma_start3A_124 = arith.constant 0 : i32
    %dma_start3A_125 = arith.constant 0 : i32
    %dma_start3A_126 = tpu.memref_slice %arg2[%add3A_120, %dma_start3A_124, %dma_start3A_125] : memref<49x30x64xf32, #tpu.memory_space<hbm>> -> memref<1x30x64xf32, #tpu.memory_space<hbm>>
    %dma_start3A_127 = tpu.memref_squeeze %dma_start3A_126 : memref<1x30x64xf32, #tpu.memory_space<hbm>> -> memref<30x64xf32, #tpu.memory_space<hbm>>
    %dma_start3A_128 = arith.constant 90 : i32
    %dma_start3A_129 = arith.constant 0 : i32
    %dma_start3A_130 = tpu.memref_slice %arg5[%dma_start3A_128, %dma_start3A_129] : memref<120x64xf32, #tpu.memory_space<vmem>> -> memref<30x64xf32, #tpu.memory_space<vmem>>
    %dma_start3A_131 = arith.constant 0 : i32
    %dma_start3A_132 = arith.constant 0 : i32
    %dma_start3A_133 = tpu.memref_slice %arg2[%add3A_120, %dma_start3A_131, %dma_start3A_132] : memref<49x30x64xf32, #tpu.memory_space<hbm>> -> memref<1x30x64xf32, #tpu.memory_space<hbm>>
    %dma_start3A_134 = tpu.memref_squeeze %dma_start3A_133 : memref<1x30x64xf32, #tpu.memory_space<hbm>> -> memref<30x64xf32, #tpu.memory_space<hbm>>
    tpu.enqueue_dma source(%dma_start3A_134 : memref<30x64xf32, #tpu.memory_space<hbm>>) target(%dma_start3A_130 : memref<30x64xf32, #tpu.memory_space<vmem>>) target_semaphore(%arg10 : memref<!tpu.dma_semaphore, #tpu.memory_space<semaphore_mem>>)
    %add3A_135 = arith.constant 3 : i32
    %add3A_136 = arith.addi %min3A_23, %add3A_135 : i32
    %dma_start3A_137 = arith.constant 90 : i32
    %dma_start3A_138 = arith.constant 0 : i32
    %dma_start3A_139 = tpu.memref_slice %arg6[%dma_start3A_137, %dma_start3A_138] : memref<120x64xf32, #tpu.memory_space<vmem>> -> memref<30x64xf32, #tpu.memory_space<vmem>>
    %dma_start3A_140 = arith.constant 0 : i32
    %dma_start3A_141 = arith.constant 0 : i32
    %dma_start3A_142 = tpu.memref_slice %arg3[%add3A_136, %dma_start3A_140, %dma_start3A_141] : memref<49x30x64xf32, #tpu.memory_space<hbm>> -> memref<1x30x64xf32, #tpu.memory_space<hbm>>
    %dma_start3A_143 = tpu.memref_squeeze %dma_start3A_142 : memref<1x30x64xf32, #tpu.memory_space<hbm>> -> memref<30x64xf32, #tpu.memory_space<hbm>>
    %dma_start3A_144 = arith.constant 90 : i32
    %dma_start3A_145 = arith.constant 0 : i32
    %dma_start3A_146 = tpu.memref_slice %arg6[%dma_start3A_144, %dma_start3A_145] : memref<120x64xf32, #tpu.memory_space<vmem>> -> memref<30x64xf32, #tpu.memory_space<vmem>>
    %dma_start3A_147 = arith.constant 0 : i32
    %dma_start3A_148 = arith.constant 0 : i32
    %dma_start3A_149 = tpu.memref_slice %arg3[%add3A_136, %dma_start3A_147, %dma_start3A_148] : memref<49x30x64xf32, #tpu.memory_space<hbm>> -> memref<1x30x64xf32, #tpu.memory_space<hbm>>
    %dma_start3A_150 = tpu.memref_squeeze %dma_start3A_149 : memref<1x30x64xf32, #tpu.memory_space<hbm>> -> memref<30x64xf32, #tpu.memory_space<hbm>>
    tpu.enqueue_dma source(%dma_start3A_150 : memref<30x64xf32, #tpu.memory_space<hbm>>) target(%dma_start3A_146 : memref<30x64xf32, #tpu.memory_space<vmem>>) target_semaphore(%arg11 : memref<!tpu.dma_semaphore, #tpu.memory_space<semaphore_mem>>)
    %dma_wait3A = arith.constant 0 : i32
    %dma_wait3A_151 = arith.constant 0 : i32
    %dma_wait3A_152 = tpu.memref_slice %arg5[%dma_wait3A, %dma_wait3A_151] : memref<120x64xf32, #tpu.memory_space<vmem>> -> memref<30x64xf32, #tpu.memory_space<vmem>>
    %dma_wait3A_153 = arith.constant 0 : i32
    %dma_wait3A_154 = arith.constant 0 : i32
    %dma_wait3A_155 = tpu.memref_slice %arg2[%add3A_25, %dma_wait3A_153, %dma_wait3A_154] : memref<49x30x64xf32, #tpu.memory_space<hbm>> -> memref<1x30x64xf32, #tpu.memory_space<hbm>>
    %dma_wait3A_156 = tpu.memref_squeeze %dma_wait3A_155 : memref<1x30x64xf32, #tpu.memory_space<hbm>> -> memref<30x64xf32, #tpu.memory_space<hbm>>
    %dma_wait3A_157 = arith.constant 0 : i32
    %dma_wait3A_158 = arith.constant 0 : i32
    %dma_wait3A_159 = tpu.memref_slice %arg5[%dma_wait3A_157, %dma_wait3A_158] : memref<120x64xf32, #tpu.memory_space<vmem>> -> memref<30x64xf32, #tpu.memory_space<vmem>>
    %dma_wait3A_160 = arith.constant 0 : i32
    %dma_wait3A_161 = arith.constant 0 : i32
    %dma_wait3A_162 = tpu.memref_slice %arg2[%add3A_25, %dma_wait3A_160, %dma_wait3A_161] : memref<49x30x64xf32, #tpu.memory_space<hbm>> -> memref<1x30x64xf32, #tpu.memory_space<hbm>>
    %dma_wait3A_163 = tpu.memref_squeeze %dma_wait3A_162 : memref<1x30x64xf32, #tpu.memory_space<hbm>> -> memref<30x64xf32, #tpu.memory_space<hbm>>
    tpu.wait_dma2 semaphore(%arg10 : memref<!tpu.dma_semaphore, #tpu.memory_space<semaphore_mem>>) src(%dma_wait3A_163 : memref<30x64xf32, #tpu.memory_space<hbm>>) dst(%dma_wait3A_159 : memref<30x64xf32, #tpu.memory_space<vmem>>)
    %dma_wait3A_164 = arith.constant 0 : i32
    %dma_wait3A_165 = arith.constant 0 : i32
    %dma_wait3A_166 = tpu.memref_slice %arg6[%dma_wait3A_164, %dma_wait3A_165] : memref<120x64xf32, #tpu.memory_space<vmem>> -> memref<30x64xf32, #tpu.memory_space<vmem>>
    %dma_wait3A_167 = arith.constant 0 : i32
    %dma_wait3A_168 = arith.constant 0 : i32
    %dma_wait3A_169 = tpu.memref_slice %arg3[%add3A_40, %dma_wait3A_167, %dma_wait3A_168] : memref<49x30x64xf32, #tpu.memory_space<hbm>> -> memref<1x30x64xf32, #tpu.memory_space<hbm>>
    %dma_wait3A_170 = tpu.memref_squeeze %dma_wait3A_169 : memref<1x30x64xf32, #tpu.memory_space<hbm>> -> memref<30x64xf32, #tpu.memory_space<hbm>>
    %dma_wait3A_171 = arith.constant 0 : i32
    %dma_wait3A_172 = arith.constant 0 : i32
    %dma_wait3A_173 = tpu.memref_slice %arg6[%dma_wait3A_171, %dma_wait3A_172] : memref<120x64xf32, #tpu.memory_space<vmem>> -> memref<30x64xf32, #tpu.memory_space<vmem>>
    %dma_wait3A_174 = arith.constant 0 : i32
    %dma_wait3A_175 = arith.constant 0 : i32
    %dma_wait3A_176 = tpu.memref_slice %arg3[%add3A_40, %dma_wait3A_174, %dma_wait3A_175] : memref<49x30x64xf32, #tpu.memory_space<hbm>> -> memref<1x30x64xf32, #tpu.memory_space<hbm>>
    %dma_wait3A_177 = tpu.memref_squeeze %dma_wait3A_176 : memref<1x30x64xf32, #tpu.memory_space<hbm>> -> memref<30x64xf32, #tpu.memory_space<hbm>>
    tpu.wait_dma2 semaphore(%arg11 : memref<!tpu.dma_semaphore, #tpu.memory_space<semaphore_mem>>) src(%dma_wait3A_177 : memref<30x64xf32, #tpu.memory_space<hbm>>) dst(%dma_wait3A_173 : memref<30x64xf32, #tpu.memory_space<vmem>>)
    %dma_wait3A_178 = arith.constant 30 : i32
    %dma_wait3A_179 = arith.constant 0 : i32
    %dma_wait3A_180 = tpu.memref_slice %arg5[%dma_wait3A_178, %dma_wait3A_179] : memref<120x64xf32, #tpu.memory_space<vmem>> -> memref<30x64xf32, #tpu.memory_space<vmem>>
    %dma_wait3A_181 = arith.constant 0 : i32
    %dma_wait3A_182 = arith.constant 0 : i32
    %dma_wait3A_183 = tpu.memref_slice %arg2[%add3A_56, %dma_wait3A_181, %dma_wait3A_182] : memref<49x30x64xf32, #tpu.memory_space<hbm>> -> memref<1x30x64xf32, #tpu.memory_space<hbm>>
    %dma_wait3A_184 = tpu.memref_squeeze %dma_wait3A_183 : memref<1x30x64xf32, #tpu.memory_space<hbm>> -> memref<30x64xf32, #tpu.memory_space<hbm>>
    %dma_wait3A_185 = arith.constant 30 : i32
    %dma_wait3A_186 = arith.constant 0 : i32
    %dma_wait3A_187 = tpu.memref_slice %arg5[%dma_wait3A_185, %dma_wait3A_186] : memref<120x64xf32, #tpu.memory_space<vmem>> -> memref<30x64xf32, #tpu.memory_space<vmem>>
    %dma_wait3A_188 = arith.constant 0 : i32
    %dma_wait3A_189 = arith.constant 0 : i32
    %dma_wait3A_190 = tpu.memref_slice %arg2[%add3A_56, %dma_wait3A_188, %dma_wait3A_189] : memref<49x30x64xf32, #tpu.memory_space<hbm>> -> memref<1x30x64xf32, #tpu.memory_space<hbm>>
    %dma_wait3A_191 = tpu.memref_squeeze %dma_wait3A_190 : memref<1x30x64xf32, #tpu.memory_space<hbm>> -> memref<30x64xf32, #tpu.memory_space<hbm>>
    tpu.wait_dma2 semaphore(%arg10 : memref<!tpu.dma_semaphore, #tpu.memory_space<semaphore_mem>>) src(%dma_wait3A_191 : memref<30x64xf32, #tpu.memory_space<hbm>>) dst(%dma_wait3A_187 : memref<30x64xf32, #tpu.memory_space<vmem>>)
    %dma_wait3A_192 = arith.constant 30 : i32
    %dma_wait3A_193 = arith.constant 0 : i32
    %dma_wait3A_194 = tpu.memref_slice %arg6[%dma_wait3A_192, %dma_wait3A_193] : memref<120x64xf32, #tpu.memory_space<vmem>> -> memref<30x64xf32, #tpu.memory_space<vmem>>
    %dma_wait3A_195 = arith.constant 0 : i32
    %dma_wait3A_196 = arith.constant 0 : i32
    %dma_wait3A_197 = tpu.memref_slice %arg3[%add3A_72, %dma_wait3A_195, %dma_wait3A_196] : memref<49x30x64xf32, #tpu.memory_space<hbm>> -> memref<1x30x64xf32, #tpu.memory_space<hbm>>
    %dma_wait3A_198 = tpu.memref_squeeze %dma_wait3A_197 : memref<1x30x64xf32, #tpu.memory_space<hbm>> -> memref<30x64xf32, #tpu.memory_space<hbm>>
    %dma_wait3A_199 = arith.constant 30 : i32
    %dma_wait3A_200 = arith.constant 0 : i32
    %dma_wait3A_201 = tpu.memref_slice %arg6[%dma_wait3A_199, %dma_wait3A_200] : memref<120x64xf32, #tpu.memory_space<vmem>> -> memref<30x64xf32, #tpu.memory_space<vmem>>
    %dma_wait3A_202 = arith.constant 0 : i32
    %dma_wait3A_203 = arith.constant 0 : i32
    %dma_wait3A_204 = tpu.memref_slice %arg3[%add3A_72, %dma_wait3A_202, %dma_wait3A_203] : memref<49x30x64xf32, #tpu.memory_space<hbm>> -> memref<1x30x64xf32, #tpu.memory_space<hbm>>
    %dma_wait3A_205 = tpu.memref_squeeze %dma_wait3A_204 : memref<1x30x64xf32, #tpu.memory_space<hbm>> -> memref<30x64xf32, #tpu.memory_space<hbm>>
    tpu.wait_dma2 semaphore(%arg11 : memref<!tpu.dma_semaphore, #tpu.memory_space<semaphore_mem>>) src(%dma_wait3A_205 : memref<30x64xf32, #tpu.memory_space<hbm>>) dst(%dma_wait3A_201 : memref<30x64xf32, #tpu.memory_space<vmem>>)
    %dma_wait3A_206 = arith.constant 60 : i32
    %dma_wait3A_207 = arith.constant 0 : i32
    %dma_wait3A_208 = tpu.memref_slice %arg5[%dma_wait3A_206, %dma_wait3A_207] : memref<120x64xf32, #tpu.memory_space<vmem>> -> memref<30x64xf32, #tpu.memory_space<vmem>>
    %dma_wait3A_209 = arith.constant 0 : i32
    %dma_wait3A_210 = arith.constant 0 : i32
    %dma_wait3A_211 = tpu.memref_slice %arg2[%add3A_88, %dma_wait3A_209, %dma_wait3A_210] : memref<49x30x64xf32, #tpu.memory_space<hbm>> -> memref<1x30x64xf32, #tpu.memory_space<hbm>>
    %dma_wait3A_212 = tpu.memref_squeeze %dma_wait3A_211 : memref<1x30x64xf32, #tpu.memory_space<hbm>> -> memref<30x64xf32, #tpu.memory_space<hbm>>
    %dma_wait3A_213 = arith.constant 60 : i32
    %dma_wait3A_214 = arith.constant 0 : i32
    %dma_wait3A_215 = tpu.memref_slice %arg5[%dma_wait3A_213, %dma_wait3A_214] : memref<120x64xf32, #tpu.memory_space<vmem>> -> memref<30x64xf32, #tpu.memory_space<vmem>>
    %dma_wait3A_216 = arith.constant 0 : i32
    %dma_wait3A_217 = arith.constant 0 : i32
    %dma_wait3A_218 = tpu.memref_slice %arg2[%add3A_88, %dma_wait3A_216, %dma_wait3A_217] : memref<49x30x64xf32, #tpu.memory_space<hbm>> -> memref<1x30x64xf32, #tpu.memory_space<hbm>>
    %dma_wait3A_219 = tpu.memref_squeeze %dma_wait3A_218 : memref<1x30x64xf32, #tpu.memory_space<hbm>> -> memref<30x64xf32, #tpu.memory_space<hbm>>
    tpu.wait_dma2 semaphore(%arg10 : memref<!tpu.dma_semaphore, #tpu.memory_space<semaphore_mem>>) src(%dma_wait3A_219 : memref<30x64xf32, #tpu.memory_space<hbm>>) dst(%dma_wait3A_215 : memref<30x64xf32, #tpu.memory_space<vmem>>)
    %dma_wait3A_220 = arith.constant 60 : i32
    %dma_wait3A_221 = arith.constant 0 : i32
    %dma_wait3A_222 = tpu.memref_slice %arg6[%dma_wait3A_220, %dma_wait3A_221] : memref<120x64xf32, #tpu.memory_space<vmem>> -> memref<30x64xf32, #tpu.memory_space<vmem>>
    %dma_wait3A_223 = arith.constant 0 : i32
    %dma_wait3A_224 = arith.constant 0 : i32
    %dma_wait3A_225 = tpu.memref_slice %arg3[%add3A_104, %dma_wait3A_223, %dma_wait3A_224] : memref<49x30x64xf32, #tpu.memory_space<hbm>> -> memref<1x30x64xf32, #tpu.memory_space<hbm>>
    %dma_wait3A_226 = tpu.memref_squeeze %dma_wait3A_225 : memref<1x30x64xf32, #tpu.memory_space<hbm>> -> memref<30x64xf32, #tpu.memory_space<hbm>>
    %dma_wait3A_227 = arith.constant 60 : i32
    %dma_wait3A_228 = arith.constant 0 : i32
    %dma_wait3A_229 = tpu.memref_slice %arg6[%dma_wait3A_227, %dma_wait3A_228] : memref<120x64xf32, #tpu.memory_space<vmem>> -> memref<30x64xf32, #tpu.memory_space<vmem>>
    %dma_wait3A_230 = arith.constant 0 : i32
    %dma_wait3A_231 = arith.constant 0 : i32
    %dma_wait3A_232 = tpu.memref_slice %arg3[%add3A_104, %dma_wait3A_230, %dma_wait3A_231] : memref<49x30x64xf32, #tpu.memory_space<hbm>> -> memref<1x30x64xf32, #tpu.memory_space<hbm>>
    %dma_wait3A_233 = tpu.memref_squeeze %dma_wait3A_232 : memref<1x30x64xf32, #tpu.memory_space<hbm>> -> memref<30x64xf32, #tpu.memory_space<hbm>>
    tpu.wait_dma2 semaphore(%arg11 : memref<!tpu.dma_semaphore, #tpu.memory_space<semaphore_mem>>) src(%dma_wait3A_233 : memref<30x64xf32, #tpu.memory_space<hbm>>) dst(%dma_wait3A_229 : memref<30x64xf32, #tpu.memory_space<vmem>>)
    %dma_wait3A_234 = arith.constant 90 : i32
    %dma_wait3A_235 = arith.constant 0 : i32
    %dma_wait3A_236 = tpu.memref_slice %arg5[%dma_wait3A_234, %dma_wait3A_235] : memref<120x64xf32, #tpu.memory_space<vmem>> -> memref<30x64xf32, #tpu.memory_space<vmem>>
    %dma_wait3A_237 = arith.constant 0 : i32
    %dma_wait3A_238 = arith.constant 0 : i32
    %dma_wait3A_239 = tpu.memref_slice %arg2[%add3A_120, %dma_wait3A_237, %dma_wait3A_238] : memref<49x30x64xf32, #tpu.memory_space<hbm>> -> memref<1x30x64xf32, #tpu.memory_space<hbm>>
    %dma_wait3A_240 = tpu.memref_squeeze %dma_wait3A_239 : memref<1x30x64xf32, #tpu.memory_space<hbm>> -> memref<30x64xf32, #tpu.memory_space<hbm>>
    %dma_wait3A_241 = arith.constant 90 : i32
    %dma_wait3A_242 = arith.constant 0 : i32
    %dma_wait3A_243 = tpu.memref_slice %arg5[%dma_wait3A_241, %dma_wait3A_242] : memref<120x64xf32, #tpu.memory_space<vmem>> -> memref<30x64xf32, #tpu.memory_space<vmem>>
    %dma_wait3A_244 = arith.constant 0 : i32
    %dma_wait3A_245 = arith.constant 0 : i32
    %dma_wait3A_246 = tpu.memref_slice %arg2[%add3A_120, %dma_wait3A_244, %dma_wait3A_245] : memref<49x30x64xf32, #tpu.memory_space<hbm>> -> memref<1x30x64xf32, #tpu.memory_space<hbm>>
    %dma_wait3A_247 = tpu.memref_squeeze %dma_wait3A_246 : memref<1x30x64xf32, #tpu.memory_space<hbm>> -> memref<30x64xf32, #tpu.memory_space<hbm>>
    tpu.wait_dma2 semaphore(%arg10 : memref<!tpu.dma_semaphore, #tpu.memory_space<semaphore_mem>>) src(%dma_wait3A_247 : memref<30x64xf32, #tpu.memory_space<hbm>>) dst(%dma_wait3A_243 : memref<30x64xf32, #tpu.memory_space<vmem>>)
    %dma_wait3A_248 = arith.constant 90 : i32
    %dma_wait3A_249 = arith.constant 0 : i32
    %dma_wait3A_250 = tpu.memref_slice %arg6[%dma_wait3A_248, %dma_wait3A_249] : memref<120x64xf32, #tpu.memory_space<vmem>> -> memref<30x64xf32, #tpu.memory_space<vmem>>
    %dma_wait3A_251 = arith.constant 0 : i32
    %dma_wait3A_252 = arith.constant 0 : i32
    %dma_wait3A_253 = tpu.memref_slice %arg3[%add3A_136, %dma_wait3A_251, %dma_wait3A_252] : memref<49x30x64xf32, #tpu.memory_space<hbm>> -> memref<1x30x64xf32, #tpu.memory_space<hbm>>
    %dma_wait3A_254 = tpu.memref_squeeze %dma_wait3A_253 : memref<1x30x64xf32, #tpu.memory_space<hbm>> -> memref<30x64xf32, #tpu.memory_space<hbm>>
    %dma_wait3A_255 = arith.constant 90 : i32
    %dma_wait3A_256 = arith.constant 0 : i32
    %dma_wait3A_257 = tpu.memref_slice %arg6[%dma_wait3A_255, %dma_wait3A_256] : memref<120x64xf32, #tpu.memory_space<vmem>> -> memref<30x64xf32, #tpu.memory_space<vmem>>
    %dma_wait3A_258 = arith.constant 0 : i32
    %dma_wait3A_259 = arith.constant 0 : i32
    %dma_wait3A_260 = tpu.memref_slice %arg3[%add3A_136, %dma_wait3A_258, %dma_wait3A_259] : memref<49x30x64xf32, #tpu.memory_space<hbm>> -> memref<1x30x64xf32, #tpu.memory_space<hbm>>
    %dma_wait3A_261 = tpu.memref_squeeze %dma_wait3A_260 : memref<1x30x64xf32, #tpu.memory_space<hbm>> -> memref<30x64xf32, #tpu.memory_space<hbm>>
    tpu.wait_dma2 semaphore(%arg11 : memref<!tpu.dma_semaphore, #tpu.memory_space<semaphore_mem>>) src(%dma_wait3A_261 : memref<30x64xf32, #tpu.memory_space<hbm>>) dst(%dma_wait3A_257 : memref<30x64xf32, #tpu.memory_space<vmem>>)
    %iota3A = tpu.iota {dimensions = array<i32: 0>} : vector<16xi32>
    %broadcast_in_dim3A = arith.constant 0.000000e+00 : f32
    %broadcast_in_dim3A_262 = vector.broadcast %broadcast_in_dim3A : f32 to vector<16xf32>
    %while3A = arith.constant 0 : i32
    %while3A_263 = arith.subi %select_n3A, %while3A : i32
    %while3A_264 = arith.addi %while3A, %while3A_263 : i32
    %while3A_265 = arith.constant 1 : i32
    %while3A_266 = arith.divsi %while3A_263, %while3A_265 : i32
    %while3A_267 = arith.muli %while3A_266, %while3A_265 : i32
    %while3A_268 = arith.addi %while3A, %while3A_267 : i32
    %while3A_269 = arith.constant 1 : i32
    %while3A_270 = scf.for %while3A_278 = %while3A to %while3A_268 step %while3A_269 iter_args(%while3A_279 = %broadcast_in_dim3A_262) -> (vector<16xf32>)  : i32 {
      %add3A_280 = arith.addi %add3A, %while3A_278 : i32
      %jit3A_281 = arith.constant 4 : i32
      %div3A_282 = arith.divsi %add3A_280, %jit3A_281 : i32
      %sign3A_283 = arith.constant 0 : i32
      %sign3A_284 = arith.cmpi sgt, %add3A_280, %sign3A_283 : i32
      %sign3A_285 = arith.extui %sign3A_284 : i1 to i32
      %sign3A_286 = arith.constant 0 : i32
      %sign3A_287 = arith.cmpi slt, %add3A_280, %sign3A_286 : i32
      %sign3A_288 = arith.extui %sign3A_287 : i1 to i32
      %sign3A_289 = arith.subi %sign3A_285, %sign3A_288 : i32
      %sign3A_290 = arith.constant 0 : i32
      %sign3A_291 = arith.cmpi sgt, %jit3A_281, %sign3A_290 : i32
      %sign3A_292 = arith.extui %sign3A_291 : i1 to i32
      %sign3A_293 = arith.constant 0 : i32
      %sign3A_294 = arith.cmpi slt, %jit3A_281, %sign3A_293 : i32
      %sign3A_295 = arith.extui %sign3A_294 : i1 to i32
      %sign3A_296 = arith.subi %sign3A_292, %sign3A_295 : i32
      %ne3A_297 = arith.cmpi ne, %sign3A_289, %sign3A_296 : i32
      %rem3A_298 = arith.remsi %add3A_280, %jit3A_281 : i32
      %ne3A_299 = arith.constant 0 : i32
      %ne3A_300 = arith.cmpi ne, %rem3A_298, %ne3A_299 : i32
      %and3A_301 = arith.andi %ne3A_297, %ne3A_300 : i1
      %sub3A_302 = arith.constant 1 : i32
      %sub3A_303 = arith.subi %div3A_282, %sub3A_302 : i32
      %select_n3A_304 = arith.select %and3A_301, %sub3A_303, %div3A_282 : i32
      %sub3A_305 = arith.subi %select_n3A_304, %min3A_23 : i32
      %mul3A_306 = arith.constant 30 : i32
      %mul3A_307 = arith.muli %sub3A_305, %mul3A_306 : i32
      %broadcast_in_dim3A_308 = vector.broadcast %mul3A_307 : i32 to vector<16xi32>
      %mul3A_309 = arith.constant 4 : i32
      %mul3A_310 = arith.muli %select_n3A_304, %mul3A_309 : i32
      %sub3A_311 = arith.subi %add3A_280, %mul3A_310 : i32
      %mul3A_312 = arith.constant 16 : i32
      %mul3A_313 = arith.muli %sub3A_311, %mul3A_312 : i32
      %add3A_314 = vector.broadcast %mul3A_313 : i32 to vector<16xi32>
      %add3A_315 = arith.addi %add3A_314, %iota3A : vector<16xi32>
      %add3A_316 = arith.constant 4 : i32
      %add3A_317 = vector.broadcast %add3A_316 : i32 to vector<16xi32>
      %add3A_318 = arith.addi %broadcast_in_dim3A_308, %add3A_317 : vector<16xi32>
      %gather3A = tpu.vector_load_idx %arg6[%add3A_318, %add3A_315] : memref<120x64xf32, #tpu.memory_space<vmem>>[vector<16xi32>, vector<16xi32>], vector<16xf32>,
      %add3A_319 = arith.constant 9 : i32
      %add3A_320 = vector.broadcast %add3A_319 : i32 to vector<16xi32>
      %add3A_321 = arith.addi %broadcast_in_dim3A_308, %add3A_320 : vector<16xi32>
      %gather3A_322 = tpu.vector_load_idx %arg6[%add3A_321, %add3A_315] : memref<120x64xf32, #tpu.memory_space<vmem>>[vector<16xi32>, vector<16xi32>], vector<16xf32>,
      %add3A_323 = arith.constant 4 : i32
      %add3A_324 = vector.broadcast %add3A_323 : i32 to vector<16xi32>
      %add3A_325 = arith.addi %broadcast_in_dim3A_308, %add3A_324 : vector<16xi32>
      %gather3A_326 = tpu.vector_load_idx %arg5[%add3A_325, %add3A_315] : memref<120x64xf32, #tpu.memory_space<vmem>>[vector<16xi32>, vector<16xi32>], vector<16xf32>,
      %add3A_327 = arith.constant 9 : i32
      %add3A_328 = vector.broadcast %add3A_327 : i32 to vector<16xi32>
      %add3A_329 = arith.addi %broadcast_in_dim3A_308, %add3A_328 : vector<16xi32>
      %gather3A_330 = tpu.vector_load_idx %arg5[%add3A_329, %add3A_315] : memref<120x64xf32, #tpu.memory_space<vmem>>[vector<16xi32>, vector<16xi32>], vector<16xf32>,
      %eq3A_331 = arith.constant 0.000000e+00 : f32
      %eq3A_332 = vector.broadcast %eq3A_331 : f32 to vector<16xf32>
      %eq3A_333 = arith.cmpf oeq, %gather3A, %eq3A_332 : vector<16xf32>
      %jit3A_334 = arith.constant 1.000000e+00 : f32
      %jit3A_335 = arith.constant 0.000000e+00 : f32
      %broadcast_in_dim3A_336 = vector.broadcast %jit3A_334 : f32 to vector<16xf32>
      %broadcast_in_dim3A_337 = vector.broadcast %jit3A_335 : f32 to vector<16xf32>
      %select_n3A_338 = arith.select %eq3A_333, %broadcast_in_dim3A_336, %broadcast_in_dim3A_337 : vector<16xi1>, vector<16xf32>
      %sub3A_339 = arith.subf %gather3A_326, %gather3A : vector<16xf32>
      %sub3A_340 = arith.subf %gather3A_330, %gather3A_322 : vector<16xf32>
      %mul3A_341 = arith.constant 5.000000e-01 : f32
      %mul3A_342 = vector.broadcast %mul3A_341 : f32 to vector<16xf32>
      %mul3A_343 = arith.mulf %mul3A_342, %select_n3A_338 : vector<16xf32>
      %mul3A_344 = arith.mulf %sub3A_339, %sub3A_339 : vector<16xf32>
      %mul3A_345 = arith.mulf %sub3A_340, %sub3A_340 : vector<16xf32>
      %add3A_346 = arith.addf %mul3A_344, %mul3A_345 : vector<16xf32>
      %mul3A_347 = arith.mulf %mul3A_343, %add3A_346 : vector<16xf32>
      %gt3A = arith.constant 0.000000e+00 : f32
      %gt3A_348 = vector.broadcast %gt3A : f32 to vector<16xf32>
      %gt3A_349 = arith.cmpf ogt, %gather3A, %gt3A_348 : vector<16xf32>
      %all_reduce_population_count3A = tpu.all_reduce %gt3A_349 {dim = 0 : i64, kind = #tpu.reduction_kind<sum>} : vector<16xi1> -> vector<16xi32>
      %slice3A = vector.extract_strided_slice %all_reduce_population_count3A {offsets = [0], sizes = [1], strides = [1]} : vector<16xi32> to vector<1xi32>
      %squeeze3A = vector.extract %slice3A[0] : i32 from vector<1xi32>
      %gt3A_350 = arith.constant 0 : i32
      %gt3A_351 = arith.cmpi sgt, %squeeze3A, %gt3A_350 : i32
      %convert_element_type3A_352 = arith.extui %gt3A_351 : i1 to i32
      %cond3A_353 = arith.constant 0 : i32
      %cond3A_354 = arith.cmpi ne, %convert_element_type3A_352, %cond3A_353 : i32
      %cond3A_355 = scf.if %cond3A_354 -> (vector<16xf32>) {
        %jit3A_358 = arith.constant 1.000000e+00 : f32
        %jit3A_359 = arith.constant 0.000000e+00 : f32
        %broadcast_in_dim3A_360 = vector.broadcast %jit3A_358 : f32 to vector<16xf32>
        %broadcast_in_dim3A_361 = vector.broadcast %jit3A_359 : f32 to vector<16xf32>
        %select_n3A_362 = arith.select %gt3A_349, %broadcast_in_dim3A_360, %broadcast_in_dim3A_361 : vector<16xi1>, vector<16xf32>
        %add3A_363 = arith.constant 0 : i32
        %add3A_364 = vector.broadcast %add3A_363 : i32 to vector<16xi32>
        %add3A_365 = arith.addi %broadcast_in_dim3A_308, %add3A_364 : vector<16xi32>
        %gather3A_366 = tpu.vector_load_idx %arg6[%add3A_365, %add3A_315] : memref<120x64xf32, #tpu.memory_space<vmem>>[vector<16xi32>, vector<16xi32>], vector<16xf32>,
        %add3A_367 = arith.constant 1 : i32
        %add3A_368 = vector.broadcast %add3A_367 : i32 to vector<16xi32>
        %add3A_369 = arith.addi %broadcast_in_dim3A_308, %add3A_368 : vector<16xi32>
        %gather3A_370 = tpu.vector_load_idx %arg6[%add3A_369, %add3A_315] : memref<120x64xf32, #tpu.memory_space<vmem>>[vector<16xi32>, vector<16xi32>], vector<16xf32>,
        %add3A_371 = arith.constant 2 : i32
        %add3A_372 = vector.broadcast %add3A_371 : i32 to vector<16xi32>
        %add3A_373 = arith.addi %broadcast_in_dim3A_308, %add3A_372 : vector<16xi32>
        %gather3A_374 = tpu.vector_load_idx %arg6[%add3A_373, %add3A_315] : memref<120x64xf32, #tpu.memory_space<vmem>>[vector<16xi32>, vector<16xi32>], vector<16xf32>,
        %add3A_375 = arith.constant 3 : i32
        %add3A_376 = vector.broadcast %add3A_375 : i32 to vector<16xi32>
        %add3A_377 = arith.addi %broadcast_in_dim3A_308, %add3A_376 : vector<16xi32>
        %gather3A_378 = tpu.vector_load_idx %arg6[%add3A_377, %add3A_315] : memref<120x64xf32, #tpu.memory_space<vmem>>[vector<16xi32>, vector<16xi32>], vector<16xf32>,
        %mul3A_379 = arith.constant 0.142857149 : f32
        %mul3A_380 = vector.broadcast %mul3A_379 : f32 to vector<16xf32>
        %mul3A_381 = arith.mulf %gather3A_366, %mul3A_380 : vector<16xf32>
        %mul3A_382 = arith.constant 5.000000e-01 : f32
        %mul3A_383 = vector.broadcast %mul3A_382 : f32 to vector<16xf32>
        %mul3A_384 = arith.mulf %mul3A_383, %gather3A_374 : vector<16xf32>
        %sub3A_385 = arith.subf %mul3A_381, %mul3A_384 : vector<16xf32>
        %mul3A_386 = arith.constant 0.142857149 : f32
        %mul3A_387 = vector.broadcast %mul3A_386 : f32 to vector<16xf32>
        %mul3A_388 = arith.mulf %gather3A_366, %mul3A_387 : vector<16xf32>
        %mul3A_389 = arith.constant 5.000000e-01 : f32
        %mul3A_390 = vector.broadcast %mul3A_389 : f32 to vector<16xf32>
        %mul3A_391 = arith.mulf %mul3A_390, %gather3A_374 : vector<16xf32>
        %add3A_392 = arith.addf %mul3A_388, %mul3A_391 : vector<16xf32>
        %mul3A_393 = arith.constant 0.142857149 : f32
        %mul3A_394 = vector.broadcast %mul3A_393 : f32 to vector<16xf32>
        %mul3A_395 = arith.mulf %gather3A_370, %mul3A_394 : vector<16xf32>
        %mul3A_396 = arith.constant 5.000000e-01 : f32
        %mul3A_397 = vector.broadcast %mul3A_396 : f32 to vector<16xf32>
        %mul3A_398 = arith.mulf %mul3A_397, %gather3A_378 : vector<16xf32>
        %sub3A_399 = arith.subf %mul3A_395, %mul3A_398 : vector<16xf32>
        %mul3A_400 = arith.constant 0.142857149 : f32
        %mul3A_401 = vector.broadcast %mul3A_400 : f32 to vector<16xf32>
        %mul3A_402 = arith.mulf %gather3A_370, %mul3A_401 : vector<16xf32>
        %mul3A_403 = arith.constant 5.000000e-01 : f32
        %mul3A_404 = vector.broadcast %mul3A_403 : f32 to vector<16xf32>
        %mul3A_405 = arith.mulf %mul3A_404, %gather3A_378 : vector<16xf32>
        %add3A_406 = arith.addf %mul3A_402, %mul3A_405 : vector<16xf32>
        %sub3A_407 = arith.subf %add3A_392, %sub3A_385 : vector<16xf32>
        %sub3A_408 = arith.subf %add3A_406, %sub3A_399 : vector<16xf32>
        %mul3A_409 = arith.mulf %sub3A_407, %sub3A_408 : vector<16xf32>
        %add3A_410 = arith.constant 0 : i32
        %add3A_411 = vector.broadcast %add3A_410 : i32 to vector<16xi32>
        %add3A_412 = arith.addi %broadcast_in_dim3A_308, %add3A_411 : vector<16xi32>
        %gather3A_413 = tpu.vector_load_idx %arg5[%add3A_412, %add3A_315] : memref<120x64xf32, #tpu.memory_space<vmem>>[vector<16xi32>, vector<16xi32>], vector<16xf32>,
        %add3A_414 = arith.constant 1 : i32
        %add3A_415 = vector.broadcast %add3A_414 : i32 to vector<16xi32>
        %add3A_416 = arith.addi %broadcast_in_dim3A_308, %add3A_415 : vector<16xi32>
        %gather3A_417 = tpu.vector_load_idx %arg5[%add3A_416, %add3A_315] : memref<120x64xf32, #tpu.memory_space<vmem>>[vector<16xi32>, vector<16xi32>], vector<16xf32>,
        %add3A_418 = arith.constant 2 : i32
        %add3A_419 = vector.broadcast %add3A_418 : i32 to vector<16xi32>
        %add3A_420 = arith.addi %broadcast_in_dim3A_308, %add3A_419 : vector<16xi32>
        %gather3A_421 = tpu.vector_load_idx %arg5[%add3A_420, %add3A_315] : memref<120x64xf32, #tpu.memory_space<vmem>>[vector<16xi32>, vector<16xi32>], vector<16xf32>,
        %add3A_422 = arith.constant 3 : i32
        %add3A_423 = vector.broadcast %add3A_422 : i32 to vector<16xi32>
        %add3A_424 = arith.addi %broadcast_in_dim3A_308, %add3A_423 : vector<16xi32>
        %gather3A_425 = tpu.vector_load_idx %arg5[%add3A_424, %add3A_315] : memref<120x64xf32, #tpu.memory_space<vmem>>[vector<16xi32>, vector<16xi32>], vector<16xf32>,
        %mul3A_426 = arith.constant 0.142857149 : f32
        %mul3A_427 = vector.broadcast %mul3A_426 : f32 to vector<16xf32>
        %mul3A_428 = arith.mulf %gather3A_413, %mul3A_427 : vector<16xf32>
        %mul3A_429 = arith.constant 5.000000e-01 : f32
        %mul3A_430 = vector.broadcast %mul3A_429 : f32 to vector<16xf32>
        %mul3A_431 = arith.mulf %mul3A_430, %gather3A_421 : vector<16xf32>
        %sub3A_432 = arith.subf %mul3A_428, %mul3A_431 : vector<16xf32>
        %mul3A_433 = arith.constant 0.142857149 : f32
        %mul3A_434 = vector.broadcast %mul3A_433 : f32 to vector<16xf32>
        %mul3A_435 = arith.mulf %gather3A_413, %mul3A_434 : vector<16xf32>
        %mul3A_436 = arith.constant 5.000000e-01 : f32
        %mul3A_437 = vector.broadcast %mul3A_436 : f32 to vector<16xf32>
        %mul3A_438 = arith.mulf %mul3A_437, %gather3A_421 : vector<16xf32>
        %add3A_439 = arith.addf %mul3A_435, %mul3A_438 : vector<16xf32>
        %mul3A_440 = arith.constant 0.142857149 : f32
        %mul3A_441 = vector.broadcast %mul3A_440 : f32 to vector<16xf32>
        %mul3A_442 = arith.mulf %gather3A_417, %mul3A_441 : vector<16xf32>
        %mul3A_443 = arith.constant 5.000000e-01 : f32
        %mul3A_444 = vector.broadcast %mul3A_443 : f32 to vector<16xf32>
        %mul3A_445 = arith.mulf %mul3A_444, %gather3A_425 : vector<16xf32>
        %sub3A_446 = arith.subf %mul3A_442, %mul3A_445 : vector<16xf32>
        %mul3A_447 = arith.constant 0.142857149 : f32
        %mul3A_448 = vector.broadcast %mul3A_447 : f32 to vector<16xf32>
        %mul3A_449 = arith.mulf %gather3A_417, %mul3A_448 : vector<16xf32>
        %mul3A_450 = arith.constant 5.000000e-01 : f32
        %mul3A_451 = vector.broadcast %mul3A_450 : f32 to vector<16xf32>
        %mul3A_452 = arith.mulf %mul3A_451, %gather3A_425 : vector<16xf32>
        %add3A_453 = arith.addf %mul3A_449, %mul3A_452 : vector<16xf32>
        %min3A_454 = arith.minimumf %add3A_439, %add3A_392 : vector<16xf32>
        %max3A = arith.maximumf %sub3A_432, %sub3A_385 : vector<16xf32>
        %sub3A_455 = arith.subf %min3A_454, %max3A : vector<16xf32>
        %max3A_456 = arith.constant 0.000000e+00 : f32
        %max3A_457 = vector.broadcast %max3A_456 : f32 to vector<16xf32>
        %max3A_458 = arith.maximumf %sub3A_455, %max3A_457 : vector<16xf32>
        %min3A_459 = arith.minimumf %add3A_453, %add3A_406 : vector<16xf32>
        %max3A_460 = arith.maximumf %sub3A_446, %sub3A_399 : vector<16xf32>
        %sub3A_461 = arith.subf %min3A_459, %max3A_460 : vector<16xf32>
        %max3A_462 = arith.constant 0.000000e+00 : f32
        %max3A_463 = vector.broadcast %max3A_462 : f32 to vector<16xf32>
        %max3A_464 = arith.maximumf %sub3A_461, %max3A_463 : vector<16xf32>
        %mul3A_465 = arith.mulf %max3A_458, %max3A_464 : vector<16xf32>
        %sub3A_466 = arith.subf %add3A_439, %sub3A_432 : vector<16xf32>
        %sub3A_467 = arith.subf %add3A_453, %sub3A_446 : vector<16xf32>
        %mul3A_468 = arith.mulf %sub3A_466, %sub3A_467 : vector<16xf32>
        %add3A_469 = arith.addf %mul3A_468, %mul3A_409 : vector<16xf32>
        %sub3A_470 = arith.subf %add3A_469, %mul3A_465 : vector<16xf32>
        %jit3A_471 = arith.constant 1.000000e+00 : f32
        %broadcast_in_dim3A_472 = vector.broadcast %jit3A_471 : f32 to vector<16xf32>
        %select_n3A_473 = arith.select %gt3A_349, %sub3A_470, %broadcast_in_dim3A_472 : vector<16xi1>, vector<16xf32>
        %div3A_474 = arith.divf %mul3A_465, %select_n3A_473 : vector<16xf32>
        %add3A_475 = arith.constant 5 : i32
        %add3A_476 = vector.broadcast %add3A_475 : i32 to vector<16xi32>
        %add3A_477 = arith.addi %broadcast_in_dim3A_308, %add3A_476 : vector<16xi32>
        %gather3A_478 = tpu.vector_load_idx %arg5[%add3A_477, %add3A_315] : memref<120x64xf32, #tpu.memory_space<vmem>>[vector<16xi32>, vector<16xi32>], vector<16xf32>,
        %add3A_479 = arith.constant 6 : i32
        %add3A_480 = vector.broadcast %add3A_479 : i32 to vector<16xi32>
        %add3A_481 = arith.addi %broadcast_in_dim3A_308, %add3A_480 : vector<16xi32>
        %gather3A_482 = tpu.vector_load_idx %arg5[%add3A_481, %add3A_315] : memref<120x64xf32, #tpu.memory_space<vmem>>[vector<16xi32>, vector<16xi32>], vector<16xf32>,
        %add3A_483 = arith.constant 7 : i32
        %add3A_484 = vector.broadcast %add3A_483 : i32 to vector<16xi32>
        %add3A_485 = arith.addi %broadcast_in_dim3A_308, %add3A_484 : vector<16xi32>
        %gather3A_486 = tpu.vector_load_idx %arg5[%add3A_485, %add3A_315] : memref<120x64xf32, #tpu.memory_space<vmem>>[vector<16xi32>, vector<16xi32>], vector<16xf32>,
        %add3A_487 = arith.constant 8 : i32
        %add3A_488 = vector.broadcast %add3A_487 : i32 to vector<16xi32>
        %add3A_489 = arith.addi %broadcast_in_dim3A_308, %add3A_488 : vector<16xi32>
        %gather3A_490 = tpu.vector_load_idx %arg5[%add3A_489, %add3A_315] : memref<120x64xf32, #tpu.memory_space<vmem>>[vector<16xi32>, vector<16xi32>], vector<16xf32>,
        %mul3A_491 = arith.constant 0.142857149 : f32
        %mul3A_492 = vector.broadcast %mul3A_491 : f32 to vector<16xf32>
        %mul3A_493 = arith.mulf %gather3A_478, %mul3A_492 : vector<16xf32>
        %mul3A_494 = arith.constant 5.000000e-01 : f32
        %mul3A_495 = vector.broadcast %mul3A_494 : f32 to vector<16xf32>
        %mul3A_496 = arith.mulf %mul3A_495, %gather3A_486 : vector<16xf32>
        %sub3A_497 = arith.subf %mul3A_493, %mul3A_496 : vector<16xf32>
        %mul3A_498 = arith.constant 0.142857149 : f32
        %mul3A_499 = vector.broadcast %mul3A_498 : f32 to vector<16xf32>
        %mul3A_500 = arith.mulf %gather3A_478, %mul3A_499 : vector<16xf32>
        %mul3A_501 = arith.constant 5.000000e-01 : f32
        %mul3A_502 = vector.broadcast %mul3A_501 : f32 to vector<16xf32>
        %mul3A_503 = arith.mulf %mul3A_502, %gather3A_486 : vector<16xf32>
        %add3A_504 = arith.addf %mul3A_500, %mul3A_503 : vector<16xf32>
        %mul3A_505 = arith.constant 0.142857149 : f32
        %mul3A_506 = vector.broadcast %mul3A_505 : f32 to vector<16xf32>
        %mul3A_507 = arith.mulf %gather3A_482, %mul3A_506 : vector<16xf32>
        %mul3A_508 = arith.constant 5.000000e-01 : f32
        %mul3A_509 = vector.broadcast %mul3A_508 : f32 to vector<16xf32>
        %mul3A_510 = arith.mulf %mul3A_509, %gather3A_490 : vector<16xf32>
        %sub3A_511 = arith.subf %mul3A_507, %mul3A_510 : vector<16xf32>
        %mul3A_512 = arith.constant 0.142857149 : f32
        %mul3A_513 = vector.broadcast %mul3A_512 : f32 to vector<16xf32>
        %mul3A_514 = arith.mulf %gather3A_482, %mul3A_513 : vector<16xf32>
        %mul3A_515 = arith.constant 5.000000e-01 : f32
        %mul3A_516 = vector.broadcast %mul3A_515 : f32 to vector<16xf32>
        %mul3A_517 = arith.mulf %mul3A_516, %gather3A_490 : vector<16xf32>
        %add3A_518 = arith.addf %mul3A_514, %mul3A_517 : vector<16xf32>
        %min3A_519 = arith.minimumf %add3A_504, %add3A_392 : vector<16xf32>
        %max3A_520 = arith.maximumf %sub3A_497, %sub3A_385 : vector<16xf32>
        %sub3A_521 = arith.subf %min3A_519, %max3A_520 : vector<16xf32>
        %max3A_522 = arith.constant 0.000000e+00 : f32
        %max3A_523 = vector.broadcast %max3A_522 : f32 to vector<16xf32>
        %max3A_524 = arith.maximumf %sub3A_521, %max3A_523 : vector<16xf32>
        %min3A_525 = arith.minimumf %add3A_518, %add3A_406 : vector<16xf32>
        %max3A_526 = arith.maximumf %sub3A_511, %sub3A_399 : vector<16xf32>
        %sub3A_527 = arith.subf %min3A_525, %max3A_526 : vector<16xf32>
        %max3A_528 = arith.constant 0.000000e+00 : f32
        %max3A_529 = vector.broadcast %max3A_528 : f32 to vector<16xf32>
        %max3A_530 = arith.maximumf %sub3A_527, %max3A_529 : vector<16xf32>
        %mul3A_531 = arith.mulf %max3A_524, %max3A_530 : vector<16xf32>
        %sub3A_532 = arith.subf %add3A_504, %sub3A_497 : vector<16xf32>
        %sub3A_533 = arith.subf %add3A_518, %sub3A_511 : vector<16xf32>
        %mul3A_534 = arith.mulf %sub3A_532, %sub3A_533 : vector<16xf32>
        %add3A_535 = arith.addf %mul3A_534, %mul3A_409 : vector<16xf32>
        %sub3A_536 = arith.subf %add3A_535, %mul3A_531 : vector<16xf32>
        %jit3A_537 = arith.constant 1.000000e+00 : f32
        %broadcast_in_dim3A_538 = vector.broadcast %jit3A_537 : f32 to vector<16xf32>
        %select_n3A_539 = arith.select %gt3A_349, %sub3A_536, %broadcast_in_dim3A_538 : vector<16xi1>, vector<16xf32>
        %div3A_540 = arith.divf %mul3A_531, %select_n3A_539 : vector<16xf32>
        %max3A_541 = arith.maximumf %div3A_474, %div3A_540 : vector<16xf32>
        %gt3A_542 = arith.cmpf ogt, %div3A_540, %div3A_474 : vector<16xf32>
        %select_n3A_543 = arith.select %gt3A_542, %gather3A_330, %gather3A_326 : vector<16xi1>, vector<16xf32>
        %sub3A_544 = arith.subf %select_n3A_543, %max3A_541 : vector<16xf32>
        %mul3A_545 = arith.mulf %sub3A_544, %sub3A_544 : vector<16xf32>
        %broadcast_in_dim3A_546 = arith.constant 0.000000e+00 : f32
        %broadcast_in_dim3A_547 = vector.broadcast %broadcast_in_dim3A_546 : f32 to vector<16xf32>
        %add3A_548 = arith.constant 10 : i32
        %add3A_549 = vector.broadcast %add3A_548 : i32 to vector<16xi32>
        %add3A_550 = arith.addi %broadcast_in_dim3A_308, %add3A_549 : vector<16xi32>
        %gather3A_551 = tpu.vector_load_idx %arg5[%add3A_550, %add3A_315] : memref<120x64xf32, #tpu.memory_space<vmem>>[vector<16xi32>, vector<16xi32>], vector<16xf32>,
        %add3A_552 = arith.constant 10 : i32
        %add3A_553 = vector.broadcast %add3A_552 : i32 to vector<16xi32>
        %add3A_554 = arith.addi %broadcast_in_dim3A_308, %add3A_553 : vector<16xi32>
        %gather3A_555 = tpu.vector_load_idx %arg6[%add3A_554, %add3A_315] : memref<120x64xf32, #tpu.memory_space<vmem>>[vector<16xi32>, vector<16xi32>], vector<16xf32>,
        %sub3A_556 = arith.subf %gather3A_551, %gather3A_555 : vector<16xf32>
        %mul3A_557 = arith.mulf %sub3A_556, %sub3A_556 : vector<16xf32>
        %add3A_558 = arith.addf %broadcast_in_dim3A_547, %mul3A_557 : vector<16xf32>
        %add3A_559 = arith.constant 11 : i32
        %add3A_560 = vector.broadcast %add3A_559 : i32 to vector<16xi32>
        %add3A_561 = arith.addi %broadcast_in_dim3A_308, %add3A_560 : vector<16xi32>
        %gather3A_562 = tpu.vector_load_idx %arg5[%add3A_561, %add3A_315] : memref<120x64xf32, #tpu.memory_space<vmem>>[vector<16xi32>, vector<16xi32>], vector<16xf32>,
        %add3A_563 = arith.constant 11 : i32
        %add3A_564 = vector.broadcast %add3A_563 : i32 to vector<16xi32>
        %add3A_565 = arith.addi %broadcast_in_dim3A_308, %add3A_564 : vector<16xi32>
        %gather3A_566 = tpu.vector_load_idx %arg6[%add3A_565, %add3A_315] : memref<120x64xf32, #tpu.memory_space<vmem>>[vector<16xi32>, vector<16xi32>], vector<16xf32>,
        %sub3A_567 = arith.subf %gather3A_562, %gather3A_566 : vector<16xf32>
        %mul3A_568 = arith.mulf %sub3A_567, %sub3A_567 : vector<16xf32>
        %add3A_569 = arith.addf %add3A_558, %mul3A_568 : vector<16xf32>
        %add3A_570 = arith.constant 12 : i32
        %add3A_571 = vector.broadcast %add3A_570 : i32 to vector<16xi32>
        %add3A_572 = arith.addi %broadcast_in_dim3A_308, %add3A_571 : vector<16xi32>
        %gather3A_573 = tpu.vector_load_idx %arg5[%add3A_572, %add3A_315] : memref<120x64xf32, #tpu.memory_space<vmem>>[vector<16xi32>, vector<16xi32>], vector<16xf32>,
        %add3A_574 = arith.constant 12 : i32
        %add3A_575 = vector.broadcast %add3A_574 : i32 to vector<16xi32>
        %add3A_576 = arith.addi %broadcast_in_dim3A_308, %add3A_575 : vector<16xi32>
        %gather3A_577 = tpu.vector_load_idx %arg6[%add3A_576, %add3A_315] : memref<120x64xf32, #tpu.memory_space<vmem>>[vector<16xi32>, vector<16xi32>], vector<16xf32>,
        %sub3A_578 = arith.subf %gather3A_573, %gather3A_577 : vector<16xf32>
        %mul3A_579 = arith.mulf %sub3A_578, %sub3A_578 : vector<16xf32>
        %add3A_580 = arith.addf %add3A_569, %mul3A_579 : vector<16xf32>
        %add3A_581 = arith.constant 13 : i32
        %add3A_582 = vector.broadcast %add3A_581 : i32 to vector<16xi32>
        %add3A_583 = arith.addi %broadcast_in_dim3A_308, %add3A_582 : vector<16xi32>
        %gather3A_584 = tpu.vector_load_idx %arg5[%add3A_583, %add3A_315] : memref<120x64xf32, #tpu.memory_space<vmem>>[vector<16xi32>, vector<16xi32>], vector<16xf32>,
        %add3A_585 = arith.constant 13 : i32
        %add3A_586 = vector.broadcast %add3A_585 : i32 to vector<16xi32>
        %add3A_587 = arith.addi %broadcast_in_dim3A_308, %add3A_586 : vector<16xi32>
        %gather3A_588 = tpu.vector_load_idx %arg6[%add3A_587, %add3A_315] : memref<120x64xf32, #tpu.memory_space<vmem>>[vector<16xi32>, vector<16xi32>], vector<16xf32>,
        %sub3A_589 = arith.subf %gather3A_584, %gather3A_588 : vector<16xf32>
        %mul3A_590 = arith.mulf %sub3A_589, %sub3A_589 : vector<16xf32>
        %add3A_591 = arith.addf %add3A_580, %mul3A_590 : vector<16xf32>
        %add3A_592 = arith.constant 14 : i32
        %add3A_593 = vector.broadcast %add3A_592 : i32 to vector<16xi32>
        %add3A_594 = arith.addi %broadcast_in_dim3A_308, %add3A_593 : vector<16xi32>
        %gather3A_595 = tpu.vector_load_idx %arg5[%add3A_594, %add3A_315] : memref<120x64xf32, #tpu.memory_space<vmem>>[vector<16xi32>, vector<16xi32>], vector<16xf32>,
        %add3A_596 = arith.constant 14 : i32
        %add3A_597 = vector.broadcast %add3A_596 : i32 to vector<16xi32>
        %add3A_598 = arith.addi %broadcast_in_dim3A_308, %add3A_597 : vector<16xi32>
        %gather3A_599 = tpu.vector_load_idx %arg6[%add3A_598, %add3A_315] : memref<120x64xf32, #tpu.memory_space<vmem>>[vector<16xi32>, vector<16xi32>], vector<16xf32>,
        %sub3A_600 = arith.subf %gather3A_595, %gather3A_599 : vector<16xf32>
        %mul3A_601 = arith.mulf %sub3A_600, %sub3A_600 : vector<16xf32>
        %add3A_602 = arith.addf %add3A_591, %mul3A_601 : vector<16xf32>
        %add3A_603 = arith.constant 15 : i32
        %add3A_604 = vector.broadcast %add3A_603 : i32 to vector<16xi32>
        %add3A_605 = arith.addi %broadcast_in_dim3A_308, %add3A_604 : vector<16xi32>
        %gather3A_606 = tpu.vector_load_idx %arg5[%add3A_605, %add3A_315] : memref<120x64xf32, #tpu.memory_space<vmem>>[vector<16xi32>, vector<16xi32>], vector<16xf32>,
        %add3A_607 = arith.constant 15 : i32
        %add3A_608 = vector.broadcast %add3A_607 : i32 to vector<16xi32>
        %add3A_609 = arith.addi %broadcast_in_dim3A_308, %add3A_608 : vector<16xi32>
        %gather3A_610 = tpu.vector_load_idx %arg6[%add3A_609, %add3A_315] : memref<120x64xf32, #tpu.memory_space<vmem>>[vector<16xi32>, vector<16xi32>], vector<16xf32>,
        %sub3A_611 = arith.subf %gather3A_606, %gather3A_610 : vector<16xf32>
        %mul3A_612 = arith.mulf %sub3A_611, %sub3A_611 : vector<16xf32>
        %add3A_613 = arith.addf %add3A_602, %mul3A_612 : vector<16xf32>
        %add3A_614 = arith.constant 16 : i32
        %add3A_615 = vector.broadcast %add3A_614 : i32 to vector<16xi32>
        %add3A_616 = arith.addi %broadcast_in_dim3A_308, %add3A_615 : vector<16xi32>
        %gather3A_617 = tpu.vector_load_idx %arg5[%add3A_616, %add3A_315] : memref<120x64xf32, #tpu.memory_space<vmem>>[vector<16xi32>, vector<16xi32>], vector<16xf32>,
        %add3A_618 = arith.constant 16 : i32
        %add3A_619 = vector.broadcast %add3A_618 : i32 to vector<16xi32>
        %add3A_620 = arith.addi %broadcast_in_dim3A_308, %add3A_619 : vector<16xi32>
        %gather3A_621 = tpu.vector_load_idx %arg6[%add3A_620, %add3A_315] : memref<120x64xf32, #tpu.memory_space<vmem>>[vector<16xi32>, vector<16xi32>], vector<16xf32>,
        %sub3A_622 = arith.subf %gather3A_617, %gather3A_621 : vector<16xf32>
        %mul3A_623 = arith.mulf %sub3A_622, %sub3A_622 : vector<16xf32>
        %add3A_624 = arith.addf %add3A_613, %mul3A_623 : vector<16xf32>
        %add3A_625 = arith.constant 17 : i32
        %add3A_626 = vector.broadcast %add3A_625 : i32 to vector<16xi32>
        %add3A_627 = arith.addi %broadcast_in_dim3A_308, %add3A_626 : vector<16xi32>
        %gather3A_628 = tpu.vector_load_idx %arg5[%add3A_627, %add3A_315] : memref<120x64xf32, #tpu.memory_space<vmem>>[vector<16xi32>, vector<16xi32>], vector<16xf32>,
        %add3A_629 = arith.constant 17 : i32
        %add3A_630 = vector.broadcast %add3A_629 : i32 to vector<16xi32>
        %add3A_631 = arith.addi %broadcast_in_dim3A_308, %add3A_630 : vector<16xi32>
        %gather3A_632 = tpu.vector_load_idx %arg6[%add3A_631, %add3A_315] : memref<120x64xf32, #tpu.memory_space<vmem>>[vector<16xi32>, vector<16xi32>], vector<16xf32>,
        %sub3A_633 = arith.subf %gather3A_628, %gather3A_632 : vector<16xf32>
        %mul3A_634 = arith.mulf %sub3A_633, %sub3A_633 : vector<16xf32>
        %add3A_635 = arith.addf %add3A_624, %mul3A_634 : vector<16xf32>
        %add3A_636 = arith.constant 18 : i32
        %add3A_637 = vector.broadcast %add3A_636 : i32 to vector<16xi32>
        %add3A_638 = arith.addi %broadcast_in_dim3A_308, %add3A_637 : vector<16xi32>
        %gather3A_639 = tpu.vector_load_idx %arg5[%add3A_638, %add3A_315] : memref<120x64xf32, #tpu.memory_space<vmem>>[vector<16xi32>, vector<16xi32>], vector<16xf32>,
        %add3A_640 = arith.constant 18 : i32
        %add3A_641 = vector.broadcast %add3A_640 : i32 to vector<16xi32>
        %add3A_642 = arith.addi %broadcast_in_dim3A_308, %add3A_641 : vector<16xi32>
        %gather3A_643 = tpu.vector_load_idx %arg6[%add3A_642, %add3A_315] : memref<120x64xf32, #tpu.memory_space<vmem>>[vector<16xi32>, vector<16xi32>], vector<16xf32>,
        %sub3A_644 = arith.subf %gather3A_639, %gather3A_643 : vector<16xf32>
        %mul3A_645 = arith.mulf %sub3A_644, %sub3A_644 : vector<16xf32>
        %add3A_646 = arith.addf %add3A_635, %mul3A_645 : vector<16xf32>
        %add3A_647 = arith.constant 19 : i32
        %add3A_648 = vector.broadcast %add3A_647 : i32 to vector<16xi32>
        %add3A_649 = arith.addi %broadcast_in_dim3A_308, %add3A_648 : vector<16xi32>
        %gather3A_650 = tpu.vector_load_idx %arg5[%add3A_649, %add3A_315] : memref<120x64xf32, #tpu.memory_space<vmem>>[vector<16xi32>, vector<16xi32>], vector<16xf32>,
        %add3A_651 = arith.constant 19 : i32
        %add3A_652 = vector.broadcast %add3A_651 : i32 to vector<16xi32>
        %add3A_653 = arith.addi %broadcast_in_dim3A_308, %add3A_652 : vector<16xi32>
        %gather3A_654 = tpu.vector_load_idx %arg6[%add3A_653, %add3A_315] : memref<120x64xf32, #tpu.memory_space<vmem>>[vector<16xi32>, vector<16xi32>], vector<16xf32>,
        %sub3A_655 = arith.subf %gather3A_650, %gather3A_654 : vector<16xf32>
        %mul3A_656 = arith.mulf %sub3A_655, %sub3A_655 : vector<16xf32>
        %add3A_657 = arith.addf %add3A_646, %mul3A_656 : vector<16xf32>
        %add3A_658 = arith.constant 20 : i32
        %add3A_659 = vector.broadcast %add3A_658 : i32 to vector<16xi32>
        %add3A_660 = arith.addi %broadcast_in_dim3A_308, %add3A_659 : vector<16xi32>
        %gather3A_661 = tpu.vector_load_idx %arg5[%add3A_660, %add3A_315] : memref<120x64xf32, #tpu.memory_space<vmem>>[vector<16xi32>, vector<16xi32>], vector<16xf32>,
        %add3A_662 = arith.constant 20 : i32
        %add3A_663 = vector.broadcast %add3A_662 : i32 to vector<16xi32>
        %add3A_664 = arith.addi %broadcast_in_dim3A_308, %add3A_663 : vector<16xi32>
        %gather3A_665 = tpu.vector_load_idx %arg6[%add3A_664, %add3A_315] : memref<120x64xf32, #tpu.memory_space<vmem>>[vector<16xi32>, vector<16xi32>], vector<16xf32>,
        %sub3A_666 = arith.subf %gather3A_661, %gather3A_665 : vector<16xf32>
        %mul3A_667 = arith.mulf %sub3A_666, %sub3A_666 : vector<16xf32>
        %add3A_668 = arith.addf %add3A_657, %mul3A_667 : vector<16xf32>
        %add3A_669 = arith.constant 21 : i32
        %add3A_670 = vector.broadcast %add3A_669 : i32 to vector<16xi32>
        %add3A_671 = arith.addi %broadcast_in_dim3A_308, %add3A_670 : vector<16xi32>
        %gather3A_672 = tpu.vector_load_idx %arg5[%add3A_671, %add3A_315] : memref<120x64xf32, #tpu.memory_space<vmem>>[vector<16xi32>, vector<16xi32>], vector<16xf32>,
        %add3A_673 = arith.constant 21 : i32
        %add3A_674 = vector.broadcast %add3A_673 : i32 to vector<16xi32>
        %add3A_675 = arith.addi %broadcast_in_dim3A_308, %add3A_674 : vector<16xi32>
        %gather3A_676 = tpu.vector_load_idx %arg6[%add3A_675, %add3A_315] : memref<120x64xf32, #tpu.memory_space<vmem>>[vector<16xi32>, vector<16xi32>], vector<16xf32>,
        %sub3A_677 = arith.subf %gather3A_672, %gather3A_676 : vector<16xf32>
        %mul3A_678 = arith.mulf %sub3A_677, %sub3A_677 : vector<16xf32>
        %add3A_679 = arith.addf %add3A_668, %mul3A_678 : vector<16xf32>
        %add3A_680 = arith.constant 22 : i32
        %add3A_681 = vector.broadcast %add3A_680 : i32 to vector<16xi32>
        %add3A_682 = arith.addi %broadcast_in_dim3A_308, %add3A_681 : vector<16xi32>
        %gather3A_683 = tpu.vector_load_idx %arg5[%add3A_682, %add3A_315] : memref<120x64xf32, #tpu.memory_space<vmem>>[vector<16xi32>, vector<16xi32>], vector<16xf32>,
        %add3A_684 = arith.constant 22 : i32
        %add3A_685 = vector.broadcast %add3A_684 : i32 to vector<16xi32>
        %add3A_686 = arith.addi %broadcast_in_dim3A_308, %add3A_685 : vector<16xi32>
        %gather3A_687 = tpu.vector_load_idx %arg6[%add3A_686, %add3A_315] : memref<120x64xf32, #tpu.memory_space<vmem>>[vector<16xi32>, vector<16xi32>], vector<16xf32>,
        %sub3A_688 = arith.subf %gather3A_683, %gather3A_687 : vector<16xf32>
        %mul3A_689 = arith.mulf %sub3A_688, %sub3A_688 : vector<16xf32>
        %add3A_690 = arith.addf %add3A_679, %mul3A_689 : vector<16xf32>
        %add3A_691 = arith.constant 23 : i32
        %add3A_692 = vector.broadcast %add3A_691 : i32 to vector<16xi32>
        %add3A_693 = arith.addi %broadcast_in_dim3A_308, %add3A_692 : vector<16xi32>
        %gather3A_694 = tpu.vector_load_idx %arg5[%add3A_693, %add3A_315] : memref<120x64xf32, #tpu.memory_space<vmem>>[vector<16xi32>, vector<16xi32>], vector<16xf32>,
        %add3A_695 = arith.constant 23 : i32
        %add3A_696 = vector.broadcast %add3A_695 : i32 to vector<16xi32>
        %add3A_697 = arith.addi %broadcast_in_dim3A_308, %add3A_696 : vector<16xi32>
        %gather3A_698 = tpu.vector_load_idx %arg6[%add3A_697, %add3A_315] : memref<120x64xf32, #tpu.memory_space<vmem>>[vector<16xi32>, vector<16xi32>], vector<16xf32>,
        %sub3A_699 = arith.subf %gather3A_694, %gather3A_698 : vector<16xf32>
        %mul3A_700 = arith.mulf %sub3A_699, %sub3A_699 : vector<16xf32>
        %add3A_701 = arith.addf %add3A_690, %mul3A_700 : vector<16xf32>
        %add3A_702 = arith.constant 24 : i32
        %add3A_703 = vector.broadcast %add3A_702 : i32 to vector<16xi32>
        %add3A_704 = arith.addi %broadcast_in_dim3A_308, %add3A_703 : vector<16xi32>
        %gather3A_705 = tpu.vector_load_idx %arg5[%add3A_704, %add3A_315] : memref<120x64xf32, #tpu.memory_space<vmem>>[vector<16xi32>, vector<16xi32>], vector<16xf32>,
        %add3A_706 = arith.constant 24 : i32
        %add3A_707 = vector.broadcast %add3A_706 : i32 to vector<16xi32>
        %add3A_708 = arith.addi %broadcast_in_dim3A_308, %add3A_707 : vector<16xi32>
        %gather3A_709 = tpu.vector_load_idx %arg6[%add3A_708, %add3A_315] : memref<120x64xf32, #tpu.memory_space<vmem>>[vector<16xi32>, vector<16xi32>], vector<16xf32>,
        %sub3A_710 = arith.subf %gather3A_705, %gather3A_709 : vector<16xf32>
        %mul3A_711 = arith.mulf %sub3A_710, %sub3A_710 : vector<16xf32>
        %add3A_712 = arith.addf %add3A_701, %mul3A_711 : vector<16xf32>
        %add3A_713 = arith.constant 25 : i32
        %add3A_714 = vector.broadcast %add3A_713 : i32 to vector<16xi32>
        %add3A_715 = arith.addi %broadcast_in_dim3A_308, %add3A_714 : vector<16xi32>
        %gather3A_716 = tpu.vector_load_idx %arg5[%add3A_715, %add3A_315] : memref<120x64xf32, #tpu.memory_space<vmem>>[vector<16xi32>, vector<16xi32>], vector<16xf32>,
        %add3A_717 = arith.constant 25 : i32
        %add3A_718 = vector.broadcast %add3A_717 : i32 to vector<16xi32>
        %add3A_719 = arith.addi %broadcast_in_dim3A_308, %add3A_718 : vector<16xi32>
        %gather3A_720 = tpu.vector_load_idx %arg6[%add3A_719, %add3A_315] : memref<120x64xf32, #tpu.memory_space<vmem>>[vector<16xi32>, vector<16xi32>], vector<16xf32>,
        %sub3A_721 = arith.subf %gather3A_716, %gather3A_720 : vector<16xf32>
        %mul3A_722 = arith.mulf %sub3A_721, %sub3A_721 : vector<16xf32>
        %add3A_723 = arith.addf %add3A_712, %mul3A_722 : vector<16xf32>
        %add3A_724 = arith.constant 26 : i32
        %add3A_725 = vector.broadcast %add3A_724 : i32 to vector<16xi32>
        %add3A_726 = arith.addi %broadcast_in_dim3A_308, %add3A_725 : vector<16xi32>
        %gather3A_727 = tpu.vector_load_idx %arg5[%add3A_726, %add3A_315] : memref<120x64xf32, #tpu.memory_space<vmem>>[vector<16xi32>, vector<16xi32>], vector<16xf32>,
        %add3A_728 = arith.constant 26 : i32
        %add3A_729 = vector.broadcast %add3A_728 : i32 to vector<16xi32>
        %add3A_730 = arith.addi %broadcast_in_dim3A_308, %add3A_729 : vector<16xi32>
        %gather3A_731 = tpu.vector_load_idx %arg6[%add3A_730, %add3A_315] : memref<120x64xf32, #tpu.memory_space<vmem>>[vector<16xi32>, vector<16xi32>], vector<16xf32>,
        %sub3A_732 = arith.subf %gather3A_727, %gather3A_731 : vector<16xf32>
        %mul3A_733 = arith.mulf %sub3A_732, %sub3A_732 : vector<16xf32>
        %add3A_734 = arith.addf %add3A_723, %mul3A_733 : vector<16xf32>
        %add3A_735 = arith.constant 27 : i32
        %add3A_736 = vector.broadcast %add3A_735 : i32 to vector<16xi32>
        %add3A_737 = arith.addi %broadcast_in_dim3A_308, %add3A_736 : vector<16xi32>
        %gather3A_738 = tpu.vector_load_idx %arg5[%add3A_737, %add3A_315] : memref<120x64xf32, #tpu.memory_space<vmem>>[vector<16xi32>, vector<16xi32>], vector<16xf32>,
        %add3A_739 = arith.constant 27 : i32
        %add3A_740 = vector.broadcast %add3A_739 : i32 to vector<16xi32>
        %add3A_741 = arith.addi %broadcast_in_dim3A_308, %add3A_740 : vector<16xi32>
        %gather3A_742 = tpu.vector_load_idx %arg6[%add3A_741, %add3A_315] : memref<120x64xf32, #tpu.memory_space<vmem>>[vector<16xi32>, vector<16xi32>], vector<16xf32>,
        %sub3A_743 = arith.subf %gather3A_738, %gather3A_742 : vector<16xf32>
        %mul3A_744 = arith.mulf %sub3A_743, %sub3A_743 : vector<16xf32>
        %add3A_745 = arith.addf %add3A_734, %mul3A_744 : vector<16xf32>
        %add3A_746 = arith.constant 28 : i32
        %add3A_747 = vector.broadcast %add3A_746 : i32 to vector<16xi32>
        %add3A_748 = arith.addi %broadcast_in_dim3A_308, %add3A_747 : vector<16xi32>
        %gather3A_749 = tpu.vector_load_idx %arg5[%add3A_748, %add3A_315] : memref<120x64xf32, #tpu.memory_space<vmem>>[vector<16xi32>, vector<16xi32>], vector<16xf32>,
        %add3A_750 = arith.constant 28 : i32
        %add3A_751 = vector.broadcast %add3A_750 : i32 to vector<16xi32>
        %add3A_752 = arith.addi %broadcast_in_dim3A_308, %add3A_751 : vector<16xi32>
        %gather3A_753 = tpu.vector_load_idx %arg6[%add3A_752, %add3A_315] : memref<120x64xf32, #tpu.memory_space<vmem>>[vector<16xi32>, vector<16xi32>], vector<16xf32>,
        %sub3A_754 = arith.subf %gather3A_749, %gather3A_753 : vector<16xf32>
        %mul3A_755 = arith.mulf %sub3A_754, %sub3A_754 : vector<16xf32>
        %add3A_756 = arith.addf %add3A_745, %mul3A_755 : vector<16xf32>
        %add3A_757 = arith.constant 29 : i32
        %add3A_758 = vector.broadcast %add3A_757 : i32 to vector<16xi32>
        %add3A_759 = arith.addi %broadcast_in_dim3A_308, %add3A_758 : vector<16xi32>
        %gather3A_760 = tpu.vector_load_idx %arg5[%add3A_759, %add3A_315] : memref<120x64xf32, #tpu.memory_space<vmem>>[vector<16xi32>, vector<16xi32>], vector<16xf32>,
        %add3A_761 = arith.constant 29 : i32
        %add3A_762 = vector.broadcast %add3A_761 : i32 to vector<16xi32>
        %add3A_763 = arith.addi %broadcast_in_dim3A_308, %add3A_762 : vector<16xi32>
        %gather3A_764 = tpu.vector_load_idx %arg6[%add3A_763, %add3A_315] : memref<120x64xf32, #tpu.memory_space<vmem>>[vector<16xi32>, vector<16xi32>], vector<16xf32>,
        %sub3A_765 = arith.subf %gather3A_760, %gather3A_764 : vector<16xf32>
        %mul3A_766 = arith.mulf %sub3A_765, %sub3A_765 : vector<16xf32>
        %add3A_767 = arith.addf %add3A_756, %mul3A_766 : vector<16xf32>
        %add3A_768 = arith.addf %mul3A_545, %add3A_767 : vector<16xf32>
        %mul3A_769 = arith.mulf %select_n3A_362, %add3A_768 : vector<16xf32>
        scf.yield %mul3A_769 : vector<16xf32>
      } else {
        %broadcast_in_dim3A_358 = arith.constant 0.000000e+00 : f32
        %broadcast_in_dim3A_359 = vector.broadcast %broadcast_in_dim3A_358 : f32 to vector<16xf32>
        scf.yield %broadcast_in_dim3A_359 : vector<16xf32>
      }
      %add3A_356 = arith.addf %mul3A_347, %cond3A_355 : vector<16xf32>
      %add3A_357 = arith.addf %while3A_279, %add3A_356 : vector<16xf32>
      scf.yield %add3A_357 : vector<16xf32>
    }
    %while3A_271 = arith.constant 1 : i32
    %while3A_272 = scf.for %while3A_278 = %while3A_268 to %while3A_264 step %while3A_271 iter_args(%while3A_279 = %while3A_270) -> (vector<16xf32>)  : i32 {
      %add3A_280 = arith.addi %add3A, %while3A_278 : i32
      %jit3A_281 = arith.constant 4 : i32
      %div3A_282 = arith.divsi %add3A_280, %jit3A_281 : i32
      %sign3A_283 = arith.constant 0 : i32
      %sign3A_284 = arith.cmpi sgt, %add3A_280, %sign3A_283 : i32
      %sign3A_285 = arith.extui %sign3A_284 : i1 to i32
      %sign3A_286 = arith.constant 0 : i32
      %sign3A_287 = arith.cmpi slt, %add3A_280, %sign3A_286 : i32
      %sign3A_288 = arith.extui %sign3A_287 : i1 to i32
      %sign3A_289 = arith.subi %sign3A_285, %sign3A_288 : i32
      %sign3A_290 = arith.constant 0 : i32
      %sign3A_291 = arith.cmpi sgt, %jit3A_281, %sign3A_290 : i32
      %sign3A_292 = arith.extui %sign3A_291 : i1 to i32
      %sign3A_293 = arith.constant 0 : i32
      %sign3A_294 = arith.cmpi slt, %jit3A_281, %sign3A_293 : i32
      %sign3A_295 = arith.extui %sign3A_294 : i1 to i32
      %sign3A_296 = arith.subi %sign3A_292, %sign3A_295 : i32
      %ne3A_297 = arith.cmpi ne, %sign3A_289, %sign3A_296 : i32
      %rem3A_298 = arith.remsi %add3A_280, %jit3A_281 : i32
      %ne3A_299 = arith.constant 0 : i32
      %ne3A_300 = arith.cmpi ne, %rem3A_298, %ne3A_299 : i32
      %and3A_301 = arith.andi %ne3A_297, %ne3A_300 : i1
      %sub3A_302 = arith.constant 1 : i32
      %sub3A_303 = arith.subi %div3A_282, %sub3A_302 : i32
      %select_n3A_304 = arith.select %and3A_301, %sub3A_303, %div3A_282 : i32
      %sub3A_305 = arith.subi %select_n3A_304, %min3A_23 : i32
      %mul3A_306 = arith.constant 30 : i32
      %mul3A_307 = arith.muli %sub3A_305, %mul3A_306 : i32
      %broadcast_in_dim3A_308 = vector.broadcast %mul3A_307 : i32 to vector<16xi32>
      %mul3A_309 = arith.constant 4 : i32
      %mul3A_310 = arith.muli %select_n3A_304, %mul3A_309 : i32
      %sub3A_311 = arith.subi %add3A_280, %mul3A_310 : i32
      %mul3A_312 = arith.constant 16 : i32
      %mul3A_313 = arith.muli %sub3A_311, %mul3A_312 : i32
      %add3A_314 = vector.broadcast %mul3A_313 : i32 to vector<16xi32>
      %add3A_315 = arith.addi %add3A_314, %iota3A : vector<16xi32>
      %add3A_316 = arith.constant 4 : i32
      %add3A_317 = vector.broadcast %add3A_316 : i32 to vector<16xi32>
      %add3A_318 = arith.addi %broadcast_in_dim3A_308, %add3A_317 : vector<16xi32>
      %gather3A = tpu.vector_load_idx %arg6[%add3A_318, %add3A_315] : memref<120x64xf32, #tpu.memory_space<vmem>>[vector<16xi32>, vector<16xi32>], vector<16xf32>,
      %add3A_319 = arith.constant 9 : i32
      %add3A_320 = vector.broadcast %add3A_319 : i32 to vector<16xi32>
      %add3A_321 = arith.addi %broadcast_in_dim3A_308, %add3A_320 : vector<16xi32>
      %gather3A_322 = tpu.vector_load_idx %arg6[%add3A_321, %add3A_315] : memref<120x64xf32, #tpu.memory_space<vmem>>[vector<16xi32>, vector<16xi32>], vector<16xf32>,
      %add3A_323 = arith.constant 4 : i32
      %add3A_324 = vector.broadcast %add3A_323 : i32 to vector<16xi32>
      %add3A_325 = arith.addi %broadcast_in_dim3A_308, %add3A_324 : vector<16xi32>
      %gather3A_326 = tpu.vector_load_idx %arg5[%add3A_325, %add3A_315] : memref<120x64xf32, #tpu.memory_space<vmem>>[vector<16xi32>, vector<16xi32>], vector<16xf32>,
      %add3A_327 = arith.constant 9 : i32
      %add3A_328 = vector.broadcast %add3A_327 : i32 to vector<16xi32>
      %add3A_329 = arith.addi %broadcast_in_dim3A_308, %add3A_328 : vector<16xi32>
      %gather3A_330 = tpu.vector_load_idx %arg5[%add3A_329, %add3A_315] : memref<120x64xf32, #tpu.memory_space<vmem>>[vector<16xi32>, vector<16xi32>], vector<16xf32>,
      %eq3A_331 = arith.constant 0.000000e+00 : f32
      %eq3A_332 = vector.broadcast %eq3A_331 : f32 to vector<16xf32>
      %eq3A_333 = arith.cmpf oeq, %gather3A, %eq3A_332 : vector<16xf32>
      %jit3A_334 = arith.constant 1.000000e+00 : f32
      %jit3A_335 = arith.constant 0.000000e+00 : f32
      %broadcast_in_dim3A_336 = vector.broadcast %jit3A_334 : f32 to vector<16xf32>
      %broadcast_in_dim3A_337 = vector.broadcast %jit3A_335 : f32 to vector<16xf32>
      %select_n3A_338 = arith.select %eq3A_333, %broadcast_in_dim3A_336, %broadcast_in_dim3A_337 : vector<16xi1>, vector<16xf32>
      %sub3A_339 = arith.subf %gather3A_326, %gather3A : vector<16xf32>
      %sub3A_340 = arith.subf %gather3A_330, %gather3A_322 : vector<16xf32>
      %mul3A_341 = arith.constant 5.000000e-01 : f32
      %mul3A_342 = vector.broadcast %mul3A_341 : f32 to vector<16xf32>
      %mul3A_343 = arith.mulf %mul3A_342, %select_n3A_338 : vector<16xf32>
      %mul3A_344 = arith.mulf %sub3A_339, %sub3A_339 : vector<16xf32>
      %mul3A_345 = arith.mulf %sub3A_340, %sub3A_340 : vector<16xf32>
      %add3A_346 = arith.addf %mul3A_344, %mul3A_345 : vector<16xf32>
      %mul3A_347 = arith.mulf %mul3A_343, %add3A_346 : vector<16xf32>
      %gt3A = arith.constant 0.000000e+00 : f32
      %gt3A_348 = vector.broadcast %gt3A : f32 to vector<16xf32>
      %gt3A_349 = arith.cmpf ogt, %gather3A, %gt3A_348 : vector<16xf32>
      %all_reduce_population_count3A = tpu.all_reduce %gt3A_349 {dim = 0 : i64, kind = #tpu.reduction_kind<sum>} : vector<16xi1> -> vector<16xi32>
      %slice3A = vector.extract_strided_slice %all_reduce_population_count3A {offsets = [0], sizes = [1], strides = [1]} : vector<16xi32> to vector<1xi32>
      %squeeze3A = vector.extract %slice3A[0] : i32 from vector<1xi32>
      %gt3A_350 = arith.constant 0 : i32
      %gt3A_351 = arith.cmpi sgt, %squeeze3A, %gt3A_350 : i32
      %convert_element_type3A_352 = arith.extui %gt3A_351 : i1 to i32
      %cond3A_353 = arith.constant 0 : i32
      %cond3A_354 = arith.cmpi ne, %convert_element_type3A_352, %cond3A_353 : i32
      %cond3A_355 = scf.if %cond3A_354 -> (vector<16xf32>) {
        %jit3A_358 = arith.constant 1.000000e+00 : f32
        %jit3A_359 = arith.constant 0.000000e+00 : f32
        %broadcast_in_dim3A_360 = vector.broadcast %jit3A_358 : f32 to vector<16xf32>
        %broadcast_in_dim3A_361 = vector.broadcast %jit3A_359 : f32 to vector<16xf32>
        %select_n3A_362 = arith.select %gt3A_349, %broadcast_in_dim3A_360, %broadcast_in_dim3A_361 : vector<16xi1>, vector<16xf32>
        %add3A_363 = arith.constant 0 : i32
        %add3A_364 = vector.broadcast %add3A_363 : i32 to vector<16xi32>
        %add3A_365 = arith.addi %broadcast_in_dim3A_308, %add3A_364 : vector<16xi32>
        %gather3A_366 = tpu.vector_load_idx %arg6[%add3A_365, %add3A_315] : memref<120x64xf32, #tpu.memory_space<vmem>>[vector<16xi32>, vector<16xi32>], vector<16xf32>,
        %add3A_367 = arith.constant 1 : i32
        %add3A_368 = vector.broadcast %add3A_367 : i32 to vector<16xi32>
        %add3A_369 = arith.addi %broadcast_in_dim3A_308, %add3A_368 : vector<16xi32>
        %gather3A_370 = tpu.vector_load_idx %arg6[%add3A_369, %add3A_315] : memref<120x64xf32, #tpu.memory_space<vmem>>[vector<16xi32>, vector<16xi32>], vector<16xf32>,
        %add3A_371 = arith.constant 2 : i32
        %add3A_372 = vector.broadcast %add3A_371 : i32 to vector<16xi32>
        %add3A_373 = arith.addi %broadcast_in_dim3A_308, %add3A_372 : vector<16xi32>
        %gather3A_374 = tpu.vector_load_idx %arg6[%add3A_373, %add3A_315] : memref<120x64xf32, #tpu.memory_space<vmem>>[vector<16xi32>, vector<16xi32>], vector<16xf32>,
        %add3A_375 = arith.constant 3 : i32
        %add3A_376 = vector.broadcast %add3A_375 : i32 to vector<16xi32>
        %add3A_377 = arith.addi %broadcast_in_dim3A_308, %add3A_376 : vector<16xi32>
        %gather3A_378 = tpu.vector_load_idx %arg6[%add3A_377, %add3A_315] : memref<120x64xf32, #tpu.memory_space<vmem>>[vector<16xi32>, vector<16xi32>], vector<16xf32>,
        %mul3A_379 = arith.constant 0.142857149 : f32
        %mul3A_380 = vector.broadcast %mul3A_379 : f32 to vector<16xf32>
        %mul3A_381 = arith.mulf %gather3A_366, %mul3A_380 : vector<16xf32>
        %mul3A_382 = arith.constant 5.000000e-01 : f32
        %mul3A_383 = vector.broadcast %mul3A_382 : f32 to vector<16xf32>
        %mul3A_384 = arith.mulf %mul3A_383, %gather3A_374 : vector<16xf32>
        %sub3A_385 = arith.subf %mul3A_381, %mul3A_384 : vector<16xf32>
        %mul3A_386 = arith.constant 0.142857149 : f32
        %mul3A_387 = vector.broadcast %mul3A_386 : f32 to vector<16xf32>
        %mul3A_388 = arith.mulf %gather3A_366, %mul3A_387 : vector<16xf32>
        %mul3A_389 = arith.constant 5.000000e-01 : f32
        %mul3A_390 = vector.broadcast %mul3A_389 : f32 to vector<16xf32>
        %mul3A_391 = arith.mulf %mul3A_390, %gather3A_374 : vector<16xf32>
        %add3A_392 = arith.addf %mul3A_388, %mul3A_391 : vector<16xf32>
        %mul3A_393 = arith.constant 0.142857149 : f32
        %mul3A_394 = vector.broadcast %mul3A_393 : f32 to vector<16xf32>
        %mul3A_395 = arith.mulf %gather3A_370, %mul3A_394 : vector<16xf32>
        %mul3A_396 = arith.constant 5.000000e-01 : f32
        %mul3A_397 = vector.broadcast %mul3A_396 : f32 to vector<16xf32>
        %mul3A_398 = arith.mulf %mul3A_397, %gather3A_378 : vector<16xf32>
        %sub3A_399 = arith.subf %mul3A_395, %mul3A_398 : vector<16xf32>
        %mul3A_400 = arith.constant 0.142857149 : f32
        %mul3A_401 = vector.broadcast %mul3A_400 : f32 to vector<16xf32>
        %mul3A_402 = arith.mulf %gather3A_370, %mul3A_401 : vector<16xf32>
        %mul3A_403 = arith.constant 5.000000e-01 : f32
        %mul3A_404 = vector.broadcast %mul3A_403 : f32 to vector<16xf32>
        %mul3A_405 = arith.mulf %mul3A_404, %gather3A_378 : vector<16xf32>
        %add3A_406 = arith.addf %mul3A_402, %mul3A_405 : vector<16xf32>
        %sub3A_407 = arith.subf %add3A_392, %sub3A_385 : vector<16xf32>
        %sub3A_408 = arith.subf %add3A_406, %sub3A_399 : vector<16xf32>
        %mul3A_409 = arith.mulf %sub3A_407, %sub3A_408 : vector<16xf32>
        %add3A_410 = arith.constant 0 : i32
        %add3A_411 = vector.broadcast %add3A_410 : i32 to vector<16xi32>
        %add3A_412 = arith.addi %broadcast_in_dim3A_308, %add3A_411 : vector<16xi32>
        %gather3A_413 = tpu.vector_load_idx %arg5[%add3A_412, %add3A_315] : memref<120x64xf32, #tpu.memory_space<vmem>>[vector<16xi32>, vector<16xi32>], vector<16xf32>,
        %add3A_414 = arith.constant 1 : i32
        %add3A_415 = vector.broadcast %add3A_414 : i32 to vector<16xi32>
        %add3A_416 = arith.addi %broadcast_in_dim3A_308, %add3A_415 : vector<16xi32>
        %gather3A_417 = tpu.vector_load_idx %arg5[%add3A_416, %add3A_315] : memref<120x64xf32, #tpu.memory_space<vmem>>[vector<16xi32>, vector<16xi32>], vector<16xf32>,
        %add3A_418 = arith.constant 2 : i32
        %add3A_419 = vector.broadcast %add3A_418 : i32 to vector<16xi32>
        %add3A_420 = arith.addi %broadcast_in_dim3A_308, %add3A_419 : vector<16xi32>
        %gather3A_421 = tpu.vector_load_idx %arg5[%add3A_420, %add3A_315] : memref<120x64xf32, #tpu.memory_space<vmem>>[vector<16xi32>, vector<16xi32>], vector<16xf32>,
        %add3A_422 = arith.constant 3 : i32
        %add3A_423 = vector.broadcast %add3A_422 : i32 to vector<16xi32>
        %add3A_424 = arith.addi %broadcast_in_dim3A_308, %add3A_423 : vector<16xi32>
        %gather3A_425 = tpu.vector_load_idx %arg5[%add3A_424, %add3A_315] : memref<120x64xf32, #tpu.memory_space<vmem>>[vector<16xi32>, vector<16xi32>], vector<16xf32>,
        %mul3A_426 = arith.constant 0.142857149 : f32
        %mul3A_427 = vector.broadcast %mul3A_426 : f32 to vector<16xf32>
        %mul3A_428 = arith.mulf %gather3A_413, %mul3A_427 : vector<16xf32>
        %mul3A_429 = arith.constant 5.000000e-01 : f32
        %mul3A_430 = vector.broadcast %mul3A_429 : f32 to vector<16xf32>
        %mul3A_431 = arith.mulf %mul3A_430, %gather3A_421 : vector<16xf32>
        %sub3A_432 = arith.subf %mul3A_428, %mul3A_431 : vector<16xf32>
        %mul3A_433 = arith.constant 0.142857149 : f32
        %mul3A_434 = vector.broadcast %mul3A_433 : f32 to vector<16xf32>
        %mul3A_435 = arith.mulf %gather3A_413, %mul3A_434 : vector<16xf32>
        %mul3A_436 = arith.constant 5.000000e-01 : f32
        %mul3A_437 = vector.broadcast %mul3A_436 : f32 to vector<16xf32>
        %mul3A_438 = arith.mulf %mul3A_437, %gather3A_421 : vector<16xf32>
        %add3A_439 = arith.addf %mul3A_435, %mul3A_438 : vector<16xf32>
        %mul3A_440 = arith.constant 0.142857149 : f32
        %mul3A_441 = vector.broadcast %mul3A_440 : f32 to vector<16xf32>
        %mul3A_442 = arith.mulf %gather3A_417, %mul3A_441 : vector<16xf32>
        %mul3A_443 = arith.constant 5.000000e-01 : f32
        %mul3A_444 = vector.broadcast %mul3A_443 : f32 to vector<16xf32>
        %mul3A_445 = arith.mulf %mul3A_444, %gather3A_425 : vector<16xf32>
        %sub3A_446 = arith.subf %mul3A_442, %mul3A_445 : vector<16xf32>
        %mul3A_447 = arith.constant 0.142857149 : f32
        %mul3A_448 = vector.broadcast %mul3A_447 : f32 to vector<16xf32>
        %mul3A_449 = arith.mulf %gather3A_417, %mul3A_448 : vector<16xf32>
        %mul3A_450 = arith.constant 5.000000e-01 : f32
        %mul3A_451 = vector.broadcast %mul3A_450 : f32 to vector<16xf32>
        %mul3A_452 = arith.mulf %mul3A_451, %gather3A_425 : vector<16xf32>
        %add3A_453 = arith.addf %mul3A_449, %mul3A_452 : vector<16xf32>
        %min3A_454 = arith.minimumf %add3A_439, %add3A_392 : vector<16xf32>
        %max3A = arith.maximumf %sub3A_432, %sub3A_385 : vector<16xf32>
        %sub3A_455 = arith.subf %min3A_454, %max3A : vector<16xf32>
        %max3A_456 = arith.constant 0.000000e+00 : f32
        %max3A_457 = vector.broadcast %max3A_456 : f32 to vector<16xf32>
        %max3A_458 = arith.maximumf %sub3A_455, %max3A_457 : vector<16xf32>
        %min3A_459 = arith.minimumf %add3A_453, %add3A_406 : vector<16xf32>
        %max3A_460 = arith.maximumf %sub3A_446, %sub3A_399 : vector<16xf32>
        %sub3A_461 = arith.subf %min3A_459, %max3A_460 : vector<16xf32>
        %max3A_462 = arith.constant 0.000000e+00 : f32
        %max3A_463 = vector.broadcast %max3A_462 : f32 to vector<16xf32>
        %max3A_464 = arith.maximumf %sub3A_461, %max3A_463 : vector<16xf32>
        %mul3A_465 = arith.mulf %max3A_458, %max3A_464 : vector<16xf32>
        %sub3A_466 = arith.subf %add3A_439, %sub3A_432 : vector<16xf32>
        %sub3A_467 = arith.subf %add3A_453, %sub3A_446 : vector<16xf32>
        %mul3A_468 = arith.mulf %sub3A_466, %sub3A_467 : vector<16xf32>
        %add3A_469 = arith.addf %mul3A_468, %mul3A_409 : vector<16xf32>
        %sub3A_470 = arith.subf %add3A_469, %mul3A_465 : vector<16xf32>
        %jit3A_471 = arith.constant 1.000000e+00 : f32
        %broadcast_in_dim3A_472 = vector.broadcast %jit3A_471 : f32 to vector<16xf32>
        %select_n3A_473 = arith.select %gt3A_349, %sub3A_470, %broadcast_in_dim3A_472 : vector<16xi1>, vector<16xf32>
        %div3A_474 = arith.divf %mul3A_465, %select_n3A_473 : vector<16xf32>
        %add3A_475 = arith.constant 5 : i32
        %add3A_476 = vector.broadcast %add3A_475 : i32 to vector<16xi32>
        %add3A_477 = arith.addi %broadcast_in_dim3A_308, %add3A_476 : vector<16xi32>
        %gather3A_478 = tpu.vector_load_idx %arg5[%add3A_477, %add3A_315] : memref<120x64xf32, #tpu.memory_space<vmem>>[vector<16xi32>, vector<16xi32>], vector<16xf32>,
        %add3A_479 = arith.constant 6 : i32
        %add3A_480 = vector.broadcast %add3A_479 : i32 to vector<16xi32>
        %add3A_481 = arith.addi %broadcast_in_dim3A_308, %add3A_480 : vector<16xi32>
        %gather3A_482 = tpu.vector_load_idx %arg5[%add3A_481, %add3A_315] : memref<120x64xf32, #tpu.memory_space<vmem>>[vector<16xi32>, vector<16xi32>], vector<16xf32>,
        %add3A_483 = arith.constant 7 : i32
        %add3A_484 = vector.broadcast %add3A_483 : i32 to vector<16xi32>
        %add3A_485 = arith.addi %broadcast_in_dim3A_308, %add3A_484 : vector<16xi32>
        %gather3A_486 = tpu.vector_load_idx %arg5[%add3A_485, %add3A_315] : memref<120x64xf32, #tpu.memory_space<vmem>>[vector<16xi32>, vector<16xi32>], vector<16xf32>,
        %add3A_487 = arith.constant 8 : i32
        %add3A_488 = vector.broadcast %add3A_487 : i32 to vector<16xi32>
        %add3A_489 = arith.addi %broadcast_in_dim3A_308, %add3A_488 : vector<16xi32>
        %gather3A_490 = tpu.vector_load_idx %arg5[%add3A_489, %add3A_315] : memref<120x64xf32, #tpu.memory_space<vmem>>[vector<16xi32>, vector<16xi32>], vector<16xf32>,
        %mul3A_491 = arith.constant 0.142857149 : f32
        %mul3A_492 = vector.broadcast %mul3A_491 : f32 to vector<16xf32>
        %mul3A_493 = arith.mulf %gather3A_478, %mul3A_492 : vector<16xf32>
        %mul3A_494 = arith.constant 5.000000e-01 : f32
        %mul3A_495 = vector.broadcast %mul3A_494 : f32 to vector<16xf32>
        %mul3A_496 = arith.mulf %mul3A_495, %gather3A_486 : vector<16xf32>
        %sub3A_497 = arith.subf %mul3A_493, %mul3A_496 : vector<16xf32>
        %mul3A_498 = arith.constant 0.142857149 : f32
        %mul3A_499 = vector.broadcast %mul3A_498 : f32 to vector<16xf32>
        %mul3A_500 = arith.mulf %gather3A_478, %mul3A_499 : vector<16xf32>
        %mul3A_501 = arith.constant 5.000000e-01 : f32
        %mul3A_502 = vector.broadcast %mul3A_501 : f32 to vector<16xf32>
        %mul3A_503 = arith.mulf %mul3A_502, %gather3A_486 : vector<16xf32>
        %add3A_504 = arith.addf %mul3A_500, %mul3A_503 : vector<16xf32>
        %mul3A_505 = arith.constant 0.142857149 : f32
        %mul3A_506 = vector.broadcast %mul3A_505 : f32 to vector<16xf32>
        %mul3A_507 = arith.mulf %gather3A_482, %mul3A_506 : vector<16xf32>
        %mul3A_508 = arith.constant 5.000000e-01 : f32
        %mul3A_509 = vector.broadcast %mul3A_508 : f32 to vector<16xf32>
        %mul3A_510 = arith.mulf %mul3A_509, %gather3A_490 : vector<16xf32>
        %sub3A_511 = arith.subf %mul3A_507, %mul3A_510 : vector<16xf32>
        %mul3A_512 = arith.constant 0.142857149 : f32
        %mul3A_513 = vector.broadcast %mul3A_512 : f32 to vector<16xf32>
        %mul3A_514 = arith.mulf %gather3A_482, %mul3A_513 : vector<16xf32>
        %mul3A_515 = arith.constant 5.000000e-01 : f32
        %mul3A_516 = vector.broadcast %mul3A_515 : f32 to vector<16xf32>
        %mul3A_517 = arith.mulf %mul3A_516, %gather3A_490 : vector<16xf32>
        %add3A_518 = arith.addf %mul3A_514, %mul3A_517 : vector<16xf32>
        %min3A_519 = arith.minimumf %add3A_504, %add3A_392 : vector<16xf32>
        %max3A_520 = arith.maximumf %sub3A_497, %sub3A_385 : vector<16xf32>
        %sub3A_521 = arith.subf %min3A_519, %max3A_520 : vector<16xf32>
        %max3A_522 = arith.constant 0.000000e+00 : f32
        %max3A_523 = vector.broadcast %max3A_522 : f32 to vector<16xf32>
        %max3A_524 = arith.maximumf %sub3A_521, %max3A_523 : vector<16xf32>
        %min3A_525 = arith.minimumf %add3A_518, %add3A_406 : vector<16xf32>
        %max3A_526 = arith.maximumf %sub3A_511, %sub3A_399 : vector<16xf32>
        %sub3A_527 = arith.subf %min3A_525, %max3A_526 : vector<16xf32>
        %max3A_528 = arith.constant 0.000000e+00 : f32
        %max3A_529 = vector.broadcast %max3A_528 : f32 to vector<16xf32>
        %max3A_530 = arith.maximumf %sub3A_527, %max3A_529 : vector<16xf32>
        %mul3A_531 = arith.mulf %max3A_524, %max3A_530 : vector<16xf32>
        %sub3A_532 = arith.subf %add3A_504, %sub3A_497 : vector<16xf32>
        %sub3A_533 = arith.subf %add3A_518, %sub3A_511 : vector<16xf32>
        %mul3A_534 = arith.mulf %sub3A_532, %sub3A_533 : vector<16xf32>
        %add3A_535 = arith.addf %mul3A_534, %mul3A_409 : vector<16xf32>
        %sub3A_536 = arith.subf %add3A_535, %mul3A_531 : vector<16xf32>
        %jit3A_537 = arith.constant 1.000000e+00 : f32
        %broadcast_in_dim3A_538 = vector.broadcast %jit3A_537 : f32 to vector<16xf32>
        %select_n3A_539 = arith.select %gt3A_349, %sub3A_536, %broadcast_in_dim3A_538 : vector<16xi1>, vector<16xf32>
        %div3A_540 = arith.divf %mul3A_531, %select_n3A_539 : vector<16xf32>
        %max3A_541 = arith.maximumf %div3A_474, %div3A_540 : vector<16xf32>
        %gt3A_542 = arith.cmpf ogt, %div3A_540, %div3A_474 : vector<16xf32>
        %select_n3A_543 = arith.select %gt3A_542, %gather3A_330, %gather3A_326 : vector<16xi1>, vector<16xf32>
        %sub3A_544 = arith.subf %select_n3A_543, %max3A_541 : vector<16xf32>
        %mul3A_545 = arith.mulf %sub3A_544, %sub3A_544 : vector<16xf32>
        %broadcast_in_dim3A_546 = arith.constant 0.000000e+00 : f32
        %broadcast_in_dim3A_547 = vector.broadcast %broadcast_in_dim3A_546 : f32 to vector<16xf32>
        %add3A_548 = arith.constant 10 : i32
        %add3A_549 = vector.broadcast %add3A_548 : i32 to vector<16xi32>
        %add3A_550 = arith.addi %broadcast_in_dim3A_308, %add3A_549 : vector<16xi32>
        %gather3A_551 = tpu.vector_load_idx %arg5[%add3A_550, %add3A_315] : memref<120x64xf32, #tpu.memory_space<vmem>>[vector<16xi32>, vector<16xi32>], vector<16xf32>,
        %add3A_552 = arith.constant 10 : i32
        %add3A_553 = vector.broadcast %add3A_552 : i32 to vector<16xi32>
        %add3A_554 = arith.addi %broadcast_in_dim3A_308, %add3A_553 : vector<16xi32>
        %gather3A_555 = tpu.vector_load_idx %arg6[%add3A_554, %add3A_315] : memref<120x64xf32, #tpu.memory_space<vmem>>[vector<16xi32>, vector<16xi32>], vector<16xf32>,
        %sub3A_556 = arith.subf %gather3A_551, %gather3A_555 : vector<16xf32>
        %mul3A_557 = arith.mulf %sub3A_556, %sub3A_556 : vector<16xf32>
        %add3A_558 = arith.addf %broadcast_in_dim3A_547, %mul3A_557 : vector<16xf32>
        %add3A_559 = arith.constant 11 : i32
        %add3A_560 = vector.broadcast %add3A_559 : i32 to vector<16xi32>
        %add3A_561 = arith.addi %broadcast_in_dim3A_308, %add3A_560 : vector<16xi32>
        %gather3A_562 = tpu.vector_load_idx %arg5[%add3A_561, %add3A_315] : memref<120x64xf32, #tpu.memory_space<vmem>>[vector<16xi32>, vector<16xi32>], vector<16xf32>,
        %add3A_563 = arith.constant 11 : i32
        %add3A_564 = vector.broadcast %add3A_563 : i32 to vector<16xi32>
        %add3A_565 = arith.addi %broadcast_in_dim3A_308, %add3A_564 : vector<16xi32>
        %gather3A_566 = tpu.vector_load_idx %arg6[%add3A_565, %add3A_315] : memref<120x64xf32, #tpu.memory_space<vmem>>[vector<16xi32>, vector<16xi32>], vector<16xf32>,
        %sub3A_567 = arith.subf %gather3A_562, %gather3A_566 : vector<16xf32>
        %mul3A_568 = arith.mulf %sub3A_567, %sub3A_567 : vector<16xf32>
        %add3A_569 = arith.addf %add3A_558, %mul3A_568 : vector<16xf32>
        %add3A_570 = arith.constant 12 : i32
        %add3A_571 = vector.broadcast %add3A_570 : i32 to vector<16xi32>
        %add3A_572 = arith.addi %broadcast_in_dim3A_308, %add3A_571 : vector<16xi32>
        %gather3A_573 = tpu.vector_load_idx %arg5[%add3A_572, %add3A_315] : memref<120x64xf32, #tpu.memory_space<vmem>>[vector<16xi32>, vector<16xi32>], vector<16xf32>,
        %add3A_574 = arith.constant 12 : i32
        %add3A_575 = vector.broadcast %add3A_574 : i32 to vector<16xi32>
        %add3A_576 = arith.addi %broadcast_in_dim3A_308, %add3A_575 : vector<16xi32>
        %gather3A_577 = tpu.vector_load_idx %arg6[%add3A_576, %add3A_315] : memref<120x64xf32, #tpu.memory_space<vmem>>[vector<16xi32>, vector<16xi32>], vector<16xf32>,
        %sub3A_578 = arith.subf %gather3A_573, %gather3A_577 : vector<16xf32>
        %mul3A_579 = arith.mulf %sub3A_578, %sub3A_578 : vector<16xf32>
        %add3A_580 = arith.addf %add3A_569, %mul3A_579 : vector<16xf32>
        %add3A_581 = arith.constant 13 : i32
        %add3A_582 = vector.broadcast %add3A_581 : i32 to vector<16xi32>
        %add3A_583 = arith.addi %broadcast_in_dim3A_308, %add3A_582 : vector<16xi32>
        %gather3A_584 = tpu.vector_load_idx %arg5[%add3A_583, %add3A_315] : memref<120x64xf32, #tpu.memory_space<vmem>>[vector<16xi32>, vector<16xi32>], vector<16xf32>,
        %add3A_585 = arith.constant 13 : i32
        %add3A_586 = vector.broadcast %add3A_585 : i32 to vector<16xi32>
        %add3A_587 = arith.addi %broadcast_in_dim3A_308, %add3A_586 : vector<16xi32>
        %gather3A_588 = tpu.vector_load_idx %arg6[%add3A_587, %add3A_315] : memref<120x64xf32, #tpu.memory_space<vmem>>[vector<16xi32>, vector<16xi32>], vector<16xf32>,
        %sub3A_589 = arith.subf %gather3A_584, %gather3A_588 : vector<16xf32>
        %mul3A_590 = arith.mulf %sub3A_589, %sub3A_589 : vector<16xf32>
        %add3A_591 = arith.addf %add3A_580, %mul3A_590 : vector<16xf32>
        %add3A_592 = arith.constant 14 : i32
        %add3A_593 = vector.broadcast %add3A_592 : i32 to vector<16xi32>
        %add3A_594 = arith.addi %broadcast_in_dim3A_308, %add3A_593 : vector<16xi32>
        %gather3A_595 = tpu.vector_load_idx %arg5[%add3A_594, %add3A_315] : memref<120x64xf32, #tpu.memory_space<vmem>>[vector<16xi32>, vector<16xi32>], vector<16xf32>,
        %add3A_596 = arith.constant 14 : i32
        %add3A_597 = vector.broadcast %add3A_596 : i32 to vector<16xi32>
        %add3A_598 = arith.addi %broadcast_in_dim3A_308, %add3A_597 : vector<16xi32>
        %gather3A_599 = tpu.vector_load_idx %arg6[%add3A_598, %add3A_315] : memref<120x64xf32, #tpu.memory_space<vmem>>[vector<16xi32>, vector<16xi32>], vector<16xf32>,
        %sub3A_600 = arith.subf %gather3A_595, %gather3A_599 : vector<16xf32>
        %mul3A_601 = arith.mulf %sub3A_600, %sub3A_600 : vector<16xf32>
        %add3A_602 = arith.addf %add3A_591, %mul3A_601 : vector<16xf32>
        %add3A_603 = arith.constant 15 : i32
        %add3A_604 = vector.broadcast %add3A_603 : i32 to vector<16xi32>
        %add3A_605 = arith.addi %broadcast_in_dim3A_308, %add3A_604 : vector<16xi32>
        %gather3A_606 = tpu.vector_load_idx %arg5[%add3A_605, %add3A_315] : memref<120x64xf32, #tpu.memory_space<vmem>>[vector<16xi32>, vector<16xi32>], vector<16xf32>,
        %add3A_607 = arith.constant 15 : i32
        %add3A_608 = vector.broadcast %add3A_607 : i32 to vector<16xi32>
        %add3A_609 = arith.addi %broadcast_in_dim3A_308, %add3A_608 : vector<16xi32>
        %gather3A_610 = tpu.vector_load_idx %arg6[%add3A_609, %add3A_315] : memref<120x64xf32, #tpu.memory_space<vmem>>[vector<16xi32>, vector<16xi32>], vector<16xf32>,
        %sub3A_611 = arith.subf %gather3A_606, %gather3A_610 : vector<16xf32>
        %mul3A_612 = arith.mulf %sub3A_611, %sub3A_611 : vector<16xf32>
        %add3A_613 = arith.addf %add3A_602, %mul3A_612 : vector<16xf32>
        %add3A_614 = arith.constant 16 : i32
        %add3A_615 = vector.broadcast %add3A_614 : i32 to vector<16xi32>
        %add3A_616 = arith.addi %broadcast_in_dim3A_308, %add3A_615 : vector<16xi32>
        %gather3A_617 = tpu.vector_load_idx %arg5[%add3A_616, %add3A_315] : memref<120x64xf32, #tpu.memory_space<vmem>>[vector<16xi32>, vector<16xi32>], vector<16xf32>,
        %add3A_618 = arith.constant 16 : i32
        %add3A_619 = vector.broadcast %add3A_618 : i32 to vector<16xi32>
        %add3A_620 = arith.addi %broadcast_in_dim3A_308, %add3A_619 : vector<16xi32>
        %gather3A_621 = tpu.vector_load_idx %arg6[%add3A_620, %add3A_315] : memref<120x64xf32, #tpu.memory_space<vmem>>[vector<16xi32>, vector<16xi32>], vector<16xf32>,
        %sub3A_622 = arith.subf %gather3A_617, %gather3A_621 : vector<16xf32>
        %mul3A_623 = arith.mulf %sub3A_622, %sub3A_622 : vector<16xf32>
        %add3A_624 = arith.addf %add3A_613, %mul3A_623 : vector<16xf32>
        %add3A_625 = arith.constant 17 : i32
        %add3A_626 = vector.broadcast %add3A_625 : i32 to vector<16xi32>
        %add3A_627 = arith.addi %broadcast_in_dim3A_308, %add3A_626 : vector<16xi32>
        %gather3A_628 = tpu.vector_load_idx %arg5[%add3A_627, %add3A_315] : memref<120x64xf32, #tpu.memory_space<vmem>>[vector<16xi32>, vector<16xi32>], vector<16xf32>,
        %add3A_629 = arith.constant 17 : i32
        %add3A_630 = vector.broadcast %add3A_629 : i32 to vector<16xi32>
        %add3A_631 = arith.addi %broadcast_in_dim3A_308, %add3A_630 : vector<16xi32>
        %gather3A_632 = tpu.vector_load_idx %arg6[%add3A_631, %add3A_315] : memref<120x64xf32, #tpu.memory_space<vmem>>[vector<16xi32>, vector<16xi32>], vector<16xf32>,
        %sub3A_633 = arith.subf %gather3A_628, %gather3A_632 : vector<16xf32>
        %mul3A_634 = arith.mulf %sub3A_633, %sub3A_633 : vector<16xf32>
        %add3A_635 = arith.addf %add3A_624, %mul3A_634 : vector<16xf32>
        %add3A_636 = arith.constant 18 : i32
        %add3A_637 = vector.broadcast %add3A_636 : i32 to vector<16xi32>
        %add3A_638 = arith.addi %broadcast_in_dim3A_308, %add3A_637 : vector<16xi32>
        %gather3A_639 = tpu.vector_load_idx %arg5[%add3A_638, %add3A_315] : memref<120x64xf32, #tpu.memory_space<vmem>>[vector<16xi32>, vector<16xi32>], vector<16xf32>,
        %add3A_640 = arith.constant 18 : i32
        %add3A_641 = vector.broadcast %add3A_640 : i32 to vector<16xi32>
        %add3A_642 = arith.addi %broadcast_in_dim3A_308, %add3A_641 : vector<16xi32>
        %gather3A_643 = tpu.vector_load_idx %arg6[%add3A_642, %add3A_315] : memref<120x64xf32, #tpu.memory_space<vmem>>[vector<16xi32>, vector<16xi32>], vector<16xf32>,
        %sub3A_644 = arith.subf %gather3A_639, %gather3A_643 : vector<16xf32>
        %mul3A_645 = arith.mulf %sub3A_644, %sub3A_644 : vector<16xf32>
        %add3A_646 = arith.addf %add3A_635, %mul3A_645 : vector<16xf32>
        %add3A_647 = arith.constant 19 : i32
        %add3A_648 = vector.broadcast %add3A_647 : i32 to vector<16xi32>
        %add3A_649 = arith.addi %broadcast_in_dim3A_308, %add3A_648 : vector<16xi32>
        %gather3A_650 = tpu.vector_load_idx %arg5[%add3A_649, %add3A_315] : memref<120x64xf32, #tpu.memory_space<vmem>>[vector<16xi32>, vector<16xi32>], vector<16xf32>,
        %add3A_651 = arith.constant 19 : i32
        %add3A_652 = vector.broadcast %add3A_651 : i32 to vector<16xi32>
        %add3A_653 = arith.addi %broadcast_in_dim3A_308, %add3A_652 : vector<16xi32>
        %gather3A_654 = tpu.vector_load_idx %arg6[%add3A_653, %add3A_315] : memref<120x64xf32, #tpu.memory_space<vmem>>[vector<16xi32>, vector<16xi32>], vector<16xf32>,
        %sub3A_655 = arith.subf %gather3A_650, %gather3A_654 : vector<16xf32>
        %mul3A_656 = arith.mulf %sub3A_655, %sub3A_655 : vector<16xf32>
        %add3A_657 = arith.addf %add3A_646, %mul3A_656 : vector<16xf32>
        %add3A_658 = arith.constant 20 : i32
        %add3A_659 = vector.broadcast %add3A_658 : i32 to vector<16xi32>
        %add3A_660 = arith.addi %broadcast_in_dim3A_308, %add3A_659 : vector<16xi32>
        %gather3A_661 = tpu.vector_load_idx %arg5[%add3A_660, %add3A_315] : memref<120x64xf32, #tpu.memory_space<vmem>>[vector<16xi32>, vector<16xi32>], vector<16xf32>,
        %add3A_662 = arith.constant 20 : i32
        %add3A_663 = vector.broadcast %add3A_662 : i32 to vector<16xi32>
        %add3A_664 = arith.addi %broadcast_in_dim3A_308, %add3A_663 : vector<16xi32>
        %gather3A_665 = tpu.vector_load_idx %arg6[%add3A_664, %add3A_315] : memref<120x64xf32, #tpu.memory_space<vmem>>[vector<16xi32>, vector<16xi32>], vector<16xf32>,
        %sub3A_666 = arith.subf %gather3A_661, %gather3A_665 : vector<16xf32>
        %mul3A_667 = arith.mulf %sub3A_666, %sub3A_666 : vector<16xf32>
        %add3A_668 = arith.addf %add3A_657, %mul3A_667 : vector<16xf32>
        %add3A_669 = arith.constant 21 : i32
        %add3A_670 = vector.broadcast %add3A_669 : i32 to vector<16xi32>
        %add3A_671 = arith.addi %broadcast_in_dim3A_308, %add3A_670 : vector<16xi32>
        %gather3A_672 = tpu.vector_load_idx %arg5[%add3A_671, %add3A_315] : memref<120x64xf32, #tpu.memory_space<vmem>>[vector<16xi32>, vector<16xi32>], vector<16xf32>,
        %add3A_673 = arith.constant 21 : i32
        %add3A_674 = vector.broadcast %add3A_673 : i32 to vector<16xi32>
        %add3A_675 = arith.addi %broadcast_in_dim3A_308, %add3A_674 : vector<16xi32>
        %gather3A_676 = tpu.vector_load_idx %arg6[%add3A_675, %add3A_315] : memref<120x64xf32, #tpu.memory_space<vmem>>[vector<16xi32>, vector<16xi32>], vector<16xf32>,
        %sub3A_677 = arith.subf %gather3A_672, %gather3A_676 : vector<16xf32>
        %mul3A_678 = arith.mulf %sub3A_677, %sub3A_677 : vector<16xf32>
        %add3A_679 = arith.addf %add3A_668, %mul3A_678 : vector<16xf32>
        %add3A_680 = arith.constant 22 : i32
        %add3A_681 = vector.broadcast %add3A_680 : i32 to vector<16xi32>
        %add3A_682 = arith.addi %broadcast_in_dim3A_308, %add3A_681 : vector<16xi32>
        %gather3A_683 = tpu.vector_load_idx %arg5[%add3A_682, %add3A_315] : memref<120x64xf32, #tpu.memory_space<vmem>>[vector<16xi32>, vector<16xi32>], vector<16xf32>,
        %add3A_684 = arith.constant 22 : i32
        %add3A_685 = vector.broadcast %add3A_684 : i32 to vector<16xi32>
        %add3A_686 = arith.addi %broadcast_in_dim3A_308, %add3A_685 : vector<16xi32>
        %gather3A_687 = tpu.vector_load_idx %arg6[%add3A_686, %add3A_315] : memref<120x64xf32, #tpu.memory_space<vmem>>[vector<16xi32>, vector<16xi32>], vector<16xf32>,
        %sub3A_688 = arith.subf %gather3A_683, %gather3A_687 : vector<16xf32>
        %mul3A_689 = arith.mulf %sub3A_688, %sub3A_688 : vector<16xf32>
        %add3A_690 = arith.addf %add3A_679, %mul3A_689 : vector<16xf32>
        %add3A_691 = arith.constant 23 : i32
        %add3A_692 = vector.broadcast %add3A_691 : i32 to vector<16xi32>
        %add3A_693 = arith.addi %broadcast_in_dim3A_308, %add3A_692 : vector<16xi32>
        %gather3A_694 = tpu.vector_load_idx %arg5[%add3A_693, %add3A_315] : memref<120x64xf32, #tpu.memory_space<vmem>>[vector<16xi32>, vector<16xi32>], vector<16xf32>,
        %add3A_695 = arith.constant 23 : i32
        %add3A_696 = vector.broadcast %add3A_695 : i32 to vector<16xi32>
        %add3A_697 = arith.addi %broadcast_in_dim3A_308, %add3A_696 : vector<16xi32>
        %gather3A_698 = tpu.vector_load_idx %arg6[%add3A_697, %add3A_315] : memref<120x64xf32, #tpu.memory_space<vmem>>[vector<16xi32>, vector<16xi32>], vector<16xf32>,
        %sub3A_699 = arith.subf %gather3A_694, %gather3A_698 : vector<16xf32>
        %mul3A_700 = arith.mulf %sub3A_699, %sub3A_699 : vector<16xf32>
        %add3A_701 = arith.addf %add3A_690, %mul3A_700 : vector<16xf32>
        %add3A_702 = arith.constant 24 : i32
        %add3A_703 = vector.broadcast %add3A_702 : i32 to vector<16xi32>
        %add3A_704 = arith.addi %broadcast_in_dim3A_308, %add3A_703 : vector<16xi32>
        %gather3A_705 = tpu.vector_load_idx %arg5[%add3A_704, %add3A_315] : memref<120x64xf32, #tpu.memory_space<vmem>>[vector<16xi32>, vector<16xi32>], vector<16xf32>,
        %add3A_706 = arith.constant 24 : i32
        %add3A_707 = vector.broadcast %add3A_706 : i32 to vector<16xi32>
        %add3A_708 = arith.addi %broadcast_in_dim3A_308, %add3A_707 : vector<16xi32>
        %gather3A_709 = tpu.vector_load_idx %arg6[%add3A_708, %add3A_315] : memref<120x64xf32, #tpu.memory_space<vmem>>[vector<16xi32>, vector<16xi32>], vector<16xf32>,
        %sub3A_710 = arith.subf %gather3A_705, %gather3A_709 : vector<16xf32>
        %mul3A_711 = arith.mulf %sub3A_710, %sub3A_710 : vector<16xf32>
        %add3A_712 = arith.addf %add3A_701, %mul3A_711 : vector<16xf32>
        %add3A_713 = arith.constant 25 : i32
        %add3A_714 = vector.broadcast %add3A_713 : i32 to vector<16xi32>
        %add3A_715 = arith.addi %broadcast_in_dim3A_308, %add3A_714 : vector<16xi32>
        %gather3A_716 = tpu.vector_load_idx %arg5[%add3A_715, %add3A_315] : memref<120x64xf32, #tpu.memory_space<vmem>>[vector<16xi32>, vector<16xi32>], vector<16xf32>,
        %add3A_717 = arith.constant 25 : i32
        %add3A_718 = vector.broadcast %add3A_717 : i32 to vector<16xi32>
        %add3A_719 = arith.addi %broadcast_in_dim3A_308, %add3A_718 : vector<16xi32>
        %gather3A_720 = tpu.vector_load_idx %arg6[%add3A_719, %add3A_315] : memref<120x64xf32, #tpu.memory_space<vmem>>[vector<16xi32>, vector<16xi32>], vector<16xf32>,
        %sub3A_721 = arith.subf %gather3A_716, %gather3A_720 : vector<16xf32>
        %mul3A_722 = arith.mulf %sub3A_721, %sub3A_721 : vector<16xf32>
        %add3A_723 = arith.addf %add3A_712, %mul3A_722 : vector<16xf32>
        %add3A_724 = arith.constant 26 : i32
        %add3A_725 = vector.broadcast %add3A_724 : i32 to vector<16xi32>
        %add3A_726 = arith.addi %broadcast_in_dim3A_308, %add3A_725 : vector<16xi32>
        %gather3A_727 = tpu.vector_load_idx %arg5[%add3A_726, %add3A_315] : memref<120x64xf32, #tpu.memory_space<vmem>>[vector<16xi32>, vector<16xi32>], vector<16xf32>,
        %add3A_728 = arith.constant 26 : i32
        %add3A_729 = vector.broadcast %add3A_728 : i32 to vector<16xi32>
        %add3A_730 = arith.addi %broadcast_in_dim3A_308, %add3A_729 : vector<16xi32>
        %gather3A_731 = tpu.vector_load_idx %arg6[%add3A_730, %add3A_315] : memref<120x64xf32, #tpu.memory_space<vmem>>[vector<16xi32>, vector<16xi32>], vector<16xf32>,
        %sub3A_732 = arith.subf %gather3A_727, %gather3A_731 : vector<16xf32>
        %mul3A_733 = arith.mulf %sub3A_732, %sub3A_732 : vector<16xf32>
        %add3A_734 = arith.addf %add3A_723, %mul3A_733 : vector<16xf32>
        %add3A_735 = arith.constant 27 : i32
        %add3A_736 = vector.broadcast %add3A_735 : i32 to vector<16xi32>
        %add3A_737 = arith.addi %broadcast_in_dim3A_308, %add3A_736 : vector<16xi32>
        %gather3A_738 = tpu.vector_load_idx %arg5[%add3A_737, %add3A_315] : memref<120x64xf32, #tpu.memory_space<vmem>>[vector<16xi32>, vector<16xi32>], vector<16xf32>,
        %add3A_739 = arith.constant 27 : i32
        %add3A_740 = vector.broadcast %add3A_739 : i32 to vector<16xi32>
        %add3A_741 = arith.addi %broadcast_in_dim3A_308, %add3A_740 : vector<16xi32>
        %gather3A_742 = tpu.vector_load_idx %arg6[%add3A_741, %add3A_315] : memref<120x64xf32, #tpu.memory_space<vmem>>[vector<16xi32>, vector<16xi32>], vector<16xf32>,
        %sub3A_743 = arith.subf %gather3A_738, %gather3A_742 : vector<16xf32>
        %mul3A_744 = arith.mulf %sub3A_743, %sub3A_743 : vector<16xf32>
        %add3A_745 = arith.addf %add3A_734, %mul3A_744 : vector<16xf32>
        %add3A_746 = arith.constant 28 : i32
        %add3A_747 = vector.broadcast %add3A_746 : i32 to vector<16xi32>
        %add3A_748 = arith.addi %broadcast_in_dim3A_308, %add3A_747 : vector<16xi32>
        %gather3A_749 = tpu.vector_load_idx %arg5[%add3A_748, %add3A_315] : memref<120x64xf32, #tpu.memory_space<vmem>>[vector<16xi32>, vector<16xi32>], vector<16xf32>,
        %add3A_750 = arith.constant 28 : i32
        %add3A_751 = vector.broadcast %add3A_750 : i32 to vector<16xi32>
        %add3A_752 = arith.addi %broadcast_in_dim3A_308, %add3A_751 : vector<16xi32>
        %gather3A_753 = tpu.vector_load_idx %arg6[%add3A_752, %add3A_315] : memref<120x64xf32, #tpu.memory_space<vmem>>[vector<16xi32>, vector<16xi32>], vector<16xf32>,
        %sub3A_754 = arith.subf %gather3A_749, %gather3A_753 : vector<16xf32>
        %mul3A_755 = arith.mulf %sub3A_754, %sub3A_754 : vector<16xf32>
        %add3A_756 = arith.addf %add3A_745, %mul3A_755 : vector<16xf32>
        %add3A_757 = arith.constant 29 : i32
        %add3A_758 = vector.broadcast %add3A_757 : i32 to vector<16xi32>
        %add3A_759 = arith.addi %broadcast_in_dim3A_308, %add3A_758 : vector<16xi32>
        %gather3A_760 = tpu.vector_load_idx %arg5[%add3A_759, %add3A_315] : memref<120x64xf32, #tpu.memory_space<vmem>>[vector<16xi32>, vector<16xi32>], vector<16xf32>,
        %add3A_761 = arith.constant 29 : i32
        %add3A_762 = vector.broadcast %add3A_761 : i32 to vector<16xi32>
        %add3A_763 = arith.addi %broadcast_in_dim3A_308, %add3A_762 : vector<16xi32>
        %gather3A_764 = tpu.vector_load_idx %arg6[%add3A_763, %add3A_315] : memref<120x64xf32, #tpu.memory_space<vmem>>[vector<16xi32>, vector<16xi32>], vector<16xf32>,
        %sub3A_765 = arith.subf %gather3A_760, %gather3A_764 : vector<16xf32>
        %mul3A_766 = arith.mulf %sub3A_765, %sub3A_765 : vector<16xf32>
        %add3A_767 = arith.addf %add3A_756, %mul3A_766 : vector<16xf32>
        %add3A_768 = arith.addf %mul3A_545, %add3A_767 : vector<16xf32>
        %mul3A_769 = arith.mulf %select_n3A_362, %add3A_768 : vector<16xf32>
        scf.yield %mul3A_769 : vector<16xf32>
      } else {
        %broadcast_in_dim3A_358 = arith.constant 0.000000e+00 : f32
        %broadcast_in_dim3A_359 = vector.broadcast %broadcast_in_dim3A_358 : f32 to vector<16xf32>
        scf.yield %broadcast_in_dim3A_359 : vector<16xf32>
      }
      %add3A_356 = arith.addf %mul3A_347, %cond3A_355 : vector<16xf32>
      %add3A_357 = arith.addf %while3A_279, %add3A_356 : vector<16xf32>
      scf.yield %add3A_357 : vector<16xf32>
    }
    %swap3A = arith.constant 0 : index
    %swap3A_273 = tpu.vector_load %arg7[%swap3A] {strides = array<i32>} : memref<16xf32, #tpu.memory_space<vmem>>, vector<16xf32>,
    tpu.vector_store %arg7[%swap3A], %while3A_272 {strides = array<i32>} : memref<16xf32, #tpu.memory_space<vmem>>, vector<16xf32>,
    %mul3A_274 = arith.constant 16 : i32
    %mul3A_275 = arith.muli %arg1, %mul3A_274 : i32
    "tpu.region"() ({
      %run_scoped3A = tpu.sem_alloc : memref<!tpu.dma_semaphore, #tpu.memory_space<semaphore_mem>>
      %dma_start3A_278 = tpu.memref_slice %arg9[%mul3A_275] : memref<256xf32, #tpu.memory_space<vmem_shared>> -> memref<16xf32, #tpu.memory_space<vmem_shared>>
      %dma_start3A_279 = tpu.memref_slice %arg9[%mul3A_275] : memref<256xf32, #tpu.memory_space<vmem_shared>> -> memref<16xf32, #tpu.memory_space<vmem_shared>>
      tpu.enqueue_dma source(%arg7 : memref<16xf32, #tpu.memory_space<vmem>>) target(%dma_start3A_279 : memref<16xf32, #tpu.memory_space<vmem_shared>>) target_semaphore(%run_scoped3A : memref<!tpu.dma_semaphore, #tpu.memory_space<semaphore_mem>>)
      %dma_wait3A_280 = tpu.memref_slice %arg9[%mul3A_275] : memref<256xf32, #tpu.memory_space<vmem_shared>> -> memref<16xf32, #tpu.memory_space<vmem_shared>>
      %dma_wait3A_281 = tpu.memref_slice %arg9[%mul3A_275] : memref<256xf32, #tpu.memory_space<vmem_shared>> -> memref<16xf32, #tpu.memory_space<vmem_shared>>
      tpu.wait_dma2 semaphore(%run_scoped3A : memref<!tpu.dma_semaphore, #tpu.memory_space<semaphore_mem>>) src(%arg7 : memref<16xf32, #tpu.memory_space<vmem>>) dst(%dma_wait3A_281 : memref<16xf32, #tpu.memory_space<vmem_shared>>)
      tpu.yield
    }) : () -> ()
    %barrier3A = arith.constant 0 : index
    tpu.barrier barrier_id(%barrier3A)
    %eq3A = arith.constant 0 : i32
    %eq3A_276 = arith.cmpi eq, %arg1, %eq3A : i32
    %convert_element_type3A = arith.extui %eq3A_276 : i1 to i32
    %cond3A = arith.constant 0 : i32
    %cond3A_277 = arith.cmpi ne, %convert_element_type3A, %cond3A : i32
    scf.if %cond3A_277 {
      "tpu.region"() ({
        %run_scoped3A = tpu.sem_alloc : memref<!tpu.dma_semaphore, #tpu.memory_space<semaphore_mem>>
        tpu.enqueue_dma source(%arg9 : memref<256xf32, #tpu.memory_space<vmem_shared>>) target(%arg8 : memref<256xf32, #tpu.memory_space<vmem>>) target_semaphore(%run_scoped3A : memref<!tpu.dma_semaphore, #tpu.memory_space<semaphore_mem>>)
        tpu.wait_dma2 semaphore(%run_scoped3A : memref<!tpu.dma_semaphore, #tpu.memory_space<semaphore_mem>>) src(%arg9 : memref<256xf32, #tpu.memory_space<vmem_shared>>) dst(%arg8 : memref<256xf32, #tpu.memory_space<vmem>>)
        tpu.yield
      }) : () -> ()
      %broadcast_in_dim3A_278 = arith.constant 0.000000e+00 : f32
      %broadcast_in_dim3A_279 = vector.broadcast %broadcast_in_dim3A_278 : f32 to vector<16xf32>
      %get3A = arith.constant 0 : index
      %get3A_280 = tpu.vector_load %arg8[%get3A] {strides = array<i32>} : memref<256xf32, #tpu.memory_space<vmem>>, vector<16xf32>,
      %add3A_281 = arith.addf %broadcast_in_dim3A_279, %get3A_280 : vector<16xf32>
      %get3A_282 = arith.constant 16 : index
      %get3A_283 = tpu.vector_load %arg8[%get3A_282] {strides = array<i32>} : memref<256xf32, #tpu.memory_space<vmem>>, vector<16xf32>,
      %add3A_284 = arith.addf %add3A_281, %get3A_283 : vector<16xf32>
      %get3A_285 = arith.constant 32 : index
      %get3A_286 = tpu.vector_load %arg8[%get3A_285] {strides = array<i32>} : memref<256xf32, #tpu.memory_space<vmem>>, vector<16xf32>,
      %add3A_287 = arith.addf %add3A_284, %get3A_286 : vector<16xf32>
      %get3A_288 = arith.constant 48 : index
      %get3A_289 = tpu.vector_load %arg8[%get3A_288] {strides = array<i32>} : memref<256xf32, #tpu.memory_space<vmem>>, vector<16xf32>,
      %add3A_290 = arith.addf %add3A_287, %get3A_289 : vector<16xf32>
      %get3A_291 = arith.constant 64 : index
      %get3A_292 = tpu.vector_load %arg8[%get3A_291] {strides = array<i32>} : memref<256xf32, #tpu.memory_space<vmem>>, vector<16xf32>,
      %add3A_293 = arith.addf %add3A_290, %get3A_292 : vector<16xf32>
      %get3A_294 = arith.constant 80 : index
      %get3A_295 = tpu.vector_load %arg8[%get3A_294] {strides = array<i32>} : memref<256xf32, #tpu.memory_space<vmem>>, vector<16xf32>,
      %add3A_296 = arith.addf %add3A_293, %get3A_295 : vector<16xf32>
      %get3A_297 = arith.constant 96 : index
      %get3A_298 = tpu.vector_load %arg8[%get3A_297] {strides = array<i32>} : memref<256xf32, #tpu.memory_space<vmem>>, vector<16xf32>,
      %add3A_299 = arith.addf %add3A_296, %get3A_298 : vector<16xf32>
      %get3A_300 = arith.constant 112 : index
      %get3A_301 = tpu.vector_load %arg8[%get3A_300] {strides = array<i32>} : memref<256xf32, #tpu.memory_space<vmem>>, vector<16xf32>,
      %add3A_302 = arith.addf %add3A_299, %get3A_301 : vector<16xf32>
      %get3A_303 = arith.constant 128 : index
      %get3A_304 = tpu.vector_load %arg8[%get3A_303] {strides = array<i32>} : memref<256xf32, #tpu.memory_space<vmem>>, vector<16xf32>,
      %add3A_305 = arith.addf %add3A_302, %get3A_304 : vector<16xf32>
      %get3A_306 = arith.constant 144 : index
      %get3A_307 = tpu.vector_load %arg8[%get3A_306] {strides = array<i32>} : memref<256xf32, #tpu.memory_space<vmem>>, vector<16xf32>,
      %add3A_308 = arith.addf %add3A_305, %get3A_307 : vector<16xf32>
      %get3A_309 = arith.constant 160 : index
      %get3A_310 = tpu.vector_load %arg8[%get3A_309] {strides = array<i32>} : memref<256xf32, #tpu.memory_space<vmem>>, vector<16xf32>,
      %add3A_311 = arith.addf %add3A_308, %get3A_310 : vector<16xf32>
      %get3A_312 = arith.constant 176 : index
      %get3A_313 = tpu.vector_load %arg8[%get3A_312] {strides = array<i32>} : memref<256xf32, #tpu.memory_space<vmem>>, vector<16xf32>,
      %add3A_314 = arith.addf %add3A_311, %get3A_313 : vector<16xf32>
      %get3A_315 = arith.constant 192 : index
      %get3A_316 = tpu.vector_load %arg8[%get3A_315] {strides = array<i32>} : memref<256xf32, #tpu.memory_space<vmem>>, vector<16xf32>,
      %add3A_317 = arith.addf %add3A_314, %get3A_316 : vector<16xf32>
      %get3A_318 = arith.constant 208 : index
      %get3A_319 = tpu.vector_load %arg8[%get3A_318] {strides = array<i32>} : memref<256xf32, #tpu.memory_space<vmem>>, vector<16xf32>,
      %add3A_320 = arith.addf %add3A_317, %get3A_319 : vector<16xf32>
      %get3A_321 = arith.constant 224 : index
      %get3A_322 = tpu.vector_load %arg8[%get3A_321] {strides = array<i32>} : memref<256xf32, #tpu.memory_space<vmem>>, vector<16xf32>,
      %add3A_323 = arith.addf %add3A_320, %get3A_322 : vector<16xf32>
      %get3A_324 = arith.constant 240 : index
      %get3A_325 = tpu.vector_load %arg8[%get3A_324] {strides = array<i32>} : memref<256xf32, #tpu.memory_space<vmem>>, vector<16xf32>,
      %add3A_326 = arith.addf %add3A_323, %get3A_325 : vector<16xf32>
      %reduce_sum3A = arith.constant true
      %reduce_sum3A_327 = vector.broadcast %reduce_sum3A : i1 to vector<16xi1>
      %reduce_sum3A_328 = tpu.scan <sum>, %add3A_326 masked %reduce_sum3A_327 : vector<16xf32>, vector<16xi1> -> vector<16xf32>
      %reduce_sum3A_329 = vector.extract %reduce_sum3A_328[15] : f32 from vector<16xf32>
      %mul3A_330 = arith.constant 1.562500e-02 : f32
      %mul3A_331 = arith.mulf %reduce_sum3A_329, %mul3A_330 : f32
      %broadcast_in_dim3A_332 = vector.broadcast %mul3A_331 : f32 to vector<16xf32>
      %swap3A_333 = arith.constant 0 : index
      %swap3A_334 = tpu.vector_load %arg7[%swap3A_333] {strides = array<i32>} : memref<16xf32, #tpu.memory_space<vmem>>, vector<16xf32>,
      tpu.vector_store %arg7[%swap3A_333], %broadcast_in_dim3A_332 {strides = array<i32>} : memref<16xf32, #tpu.memory_space<vmem>>, vector<16xf32>,
      "tpu.region"() ({
        %run_scoped3A = tpu.sem_alloc : memref<!tpu.dma_semaphore, #tpu.memory_space<semaphore_mem>>
        tpu.enqueue_dma source(%arg7 : memref<16xf32, #tpu.memory_space<vmem>>) target(%arg4 : memref<16xf32, #tpu.memory_space<hbm>>) target_semaphore(%run_scoped3A : memref<!tpu.dma_semaphore, #tpu.memory_space<semaphore_mem>>)
        tpu.wait_dma2 semaphore(%run_scoped3A : memref<!tpu.dma_semaphore, #tpu.memory_space<semaphore_mem>>) src(%arg7 : memref<16xf32, #tpu.memory_space<vmem>>) dst(%arg4 : memref<16xf32, #tpu.memory_space<hbm>>)
        tpu.yield
      }) : () -> ()
    } else {
    }
    return
  }
}

</mosaic_0001>

<sc_bundles>
// kernel: kernel.3.cloned.1.call-start
scs
__scs_entry_jumppad:
0x0: {  	(pc) =	sbr.rel $0x88, $3  }
0x1: {  	(tag) =	ssettag $0x0;
	lr =	simm.s32 $0x1  }
0x2: {  	[smem:$0x3F9F] =	sst lr;
	_ =	strace $0xD0000000  }
0x3: {  	_ = 	snop  }
0x4: {  	_ = 	snop  }
0x5: {  	_ = 	snop  }
0x6: {  	_ = 	snop  }
0x7: {  	_ = 	snop  }
__scs_overlays_trampoline_lowered:
0x8: {  	[smem:$0x3FAE] =	sst s0  }
0x9: {  	[smem:$0x3FAF] =	sst s1  }
0xa: {  	[smem:$0x3FB0] =	sst s2  }
0xb: {  	[smem:$0x3FB1] =	sst s3  }
0xc: {  	[smem:$0x3FB2] =	sst s4  }
0xd: {  	[smem:$0x3FB3] =	sst s5  }
0xe: {  	[smem:$0x3FB4] =	sst s6  }
0xf: {  	[smem:$0x3FB5] =	sst s7  }
0x10: {  	[smem:$0x3FB6] =	sst s8  }
0x11: {  	[smem:$0x3FB7] =	sst s9;
	s0 =	simm.s32 @!p0 $0x0  }
0x12: {  	s1 =	sld [smem:$0x3F9D];
	s0 =	simm.s32 @p0 $0x1  }
0x13: {  	[smem:$0x3FB8] =	sst s0;
	s0 =	simm.s32 @!p1 $0x0  }
0x14: {  	s2 =	sld [smem:$0x3F9C];
	s0 =	simm.s32 @p1 $0x1  }
0x15: {  	[smem:$0x3FB9] =	sst s0;
	s0 =	simm.s32 @!p2 $0x0  }
0x16: {  	s3 =	sld [smem:$0x3FDB];
	s0 =	simm.s32 @p2 $0x1  }
0x17: {  	s4 =	simm.s32 $0x1BF5;
	[smem:$0x3FBB] =	sst s0  }
0x18: {  	s0 =	sld [smem:$0x3F9E];
	_ =	swait.ge [sflag:s4], $0x0  }
0x19: {  	s7 =	sld [smem:$0x3F9F]  }
0x1a: {  	s8 =	sadd.s32 $0xFFFFE003, lr  }
0x1b: {  	s9 =	sadd.s32 $0xFFFFFEF7, lr;
	s5 =	simm.s32 $0xFFFFFFFF;
	p2 =	slt.u32 s8, $0xFFFFF086  }
0x1c: {  	p1 =	slt.u32 s9, $0xF7A;
	s5 =	simm.s32 @!p2 $0x0  }
0x1d: {  	s5 =	simm.s32 @p1 $0x1;
	p0 =	seq.s32 s7, s2  }
0x1e: {  	s7 =	smul.u32 @!p0 $0xF7A, s2;
	p2 =	seq.s32 @!p0 s5, $0x0  }
0x1f: {  	s9 =	smul.u32 $0xF7A, s1;
	s8 =	simm.s32 @!p0 $0x1BF5;
	p2 =	por !p2, p0  }
0x20: {  	[sflag:s8] =	ssyncset.s32 @!p0 $0xFFFFF086;
	s6 =	sadd.s32 @!p0 s3, s7;
	s7 =	simm.s32 @!p0 $0x108  }
0x21: {  	s3 =	sadd.s32 s3, s9;
	s6 =	sadd.s32 @!p0 $0x88, s6;
	s7 =	simm.s32 @p2 $0x1082  }
0x22: {  	[simem:s7], [sflag:s8] =	dma.local @!p0 [hbm:s6], $0xF7A  }
0x23: {  	s9 =	sor.u32 $0xD0000000, s2;
	s6 =	simm.s32 $0x108;
	_ =	swait.ge @!p0 [sflag:s8], $0x0  }
0x24: {  	s3 =	sadd.s32 $0x88, s3;
	s6 =	simm.s32 @!p1 $0x1082;
	[sflag:s4] =	ssyncset.s32 $0xFFFFF086  }
0x25: {  	[simem:s6], [sflag:s4] =	dma.local [hbm:s3], $0xF7A  }
0x26: {  	[smem:$0x3F9F] =	sst s1;
	(tag) =	ssettag s2;
	_ =	strace s9  }
0x27: {  	s1 =	sld [smem:$0x3FAF]  }
0x28: {  	s2 =	sld [smem:$0x3FB0]  }
0x29: {  	s4 =	sld [smem:$0x3FB2]  }
0x2a: {  	p0 =	seq.s32 s5, $0x0;
	s5 =	sld [smem:$0x3FB3]  }
0x2b: {  	s6 =	sld [smem:$0x3FB4]  }
0x2c: {  	s7 =	sld [smem:$0x3FB5]  }
0x2d: {  	s3 =	simm.s32 $0x108;
	s8 =	sld [smem:$0x3FB6]  }
0x2e: {  	s3 =	simm.s32 @!p0 $0x1082;
	s9 =	sld [smem:$0x3FB7]  }
0x2f: {  	lr =	sadd.s32 s0, s3;
	s0 =	sld [smem:$0x3FAE]  }
0x30: {  	s3 =	sld [smem:$0x3FB1]  }
0x31: {  	[smem:$0x3FBA] =	sst s10  }
0x32: {  	s10 =	sld [smem:$0x3FB8];
	_ =	sdelay $0x3  }
0x33: {  	p0 =	seq.s32 s10, $0x1;
	s10 =	sld [smem:$0x3FBA];
	_ =	sdelay $0x3  }
0x34: {  	[smem:$0x3FBA] =	sst s10  }
0x35: {  	s10 =	sld [smem:$0x3FB9];
	_ =	sdelay $0x3  }
0x36: {  	p1 =	seq.s32 s10, $0x1;
	s10 =	sld [smem:$0x3FBA];
	_ =	sdelay $0x3  }
0x37: {  	[smem:$0x3FBA] =	sst s10  }
0x38: {  	s10 =	sld [smem:$0x3FBB]  }
0x39: {  	_ = 	snop;
	(pc) =	sbr.ind lr, $3  }
0x3a: {  	_ = 	snop  }
0x3b: {  	_ = 	snop  }
0x3c: {  	p2 =	seq.s32 s10, $0x1;
	s10 =	sld [smem:$0x3FBA]  }
0x3d: {  	_ =	shalt  }
0x3e: {  	_ =	shalt  }
0x3f: {  	_ =	shalt  }
0x40: {  	_ =	shalt  }
0x41: {  	_ =	shalt  }
0x42: {  	_ =	shalt  }
0x43: {  	_ =	shalt  }
0x44: {  	_ =	shalt  }
0x45: {  	_ =	shalt  }
0x46: {  	_ =	shalt  }
0x47: {  	_ =	shalt  }
0x48: {  	_ =	shalt  }
0x49: {  	_ =	shalt  }
0x4a: {  	_ =	shalt  }
0x4b: {  	_ =	shalt  }
0x4c: {  	_ =	shalt  }
0x4d: {  	_ =	shalt  }
0x4e: {  	_ =	shalt  }
0x4f: {  	_ =	shalt  }
0x50: {  	_ =	shalt  }
0x51: {  	_ =	shalt  }
0x52: {  	_ =	shalt  }
0x53: {  	_ =	shalt  }
0x54: {  	_ =	shalt  }
0x55: {  	_ =	shalt  }
0x56: {  	_ =	shalt  }
0x57: {  	_ =	shalt  }
0x58: {  	_ =	shalt  }
0x59: {  	_ =	shalt  }
0x5a: {  	_ =	shalt  }
0x5b: {  	_ =	shalt  }
0x5c: {  	_ =	shalt  }
0x5d: {  	_ =	shalt  }
0x5e: {  	_ =	shalt  }
0x5f: {  	_ =	shalt  }
0x60: {  	_ =	shalt  }
0x61: {  	_ =	shalt  }
0x62: {  	_ =	shalt  }
0x63: {  	_ =	shalt  }
0x64: {  	_ =	shalt  }
0x65: {  	_ =	shalt  }
0x66: {  	_ =	shalt  }
0x67: {  	_ =	shalt  }
0x68: {  	_ =	shalt  }
0x69: {  	_ =	shalt  }
0x6a: {  	_ =	shalt  }
0x6b: {  	_ =	shalt  }
0x6c: {  	_ =	shalt  }
0x6d: {  	_ =	shalt  }
0x6e: {  	_ =	shalt  }
0x6f: {  	_ =	shalt  }
0x70: {  	_ =	shalt  }
0x71: {  	_ =	shalt  }
0x72: {  	_ =	shalt  }
0x73: {  	_ =	shalt  }
0x74: {  	_ =	shalt  }
0x75: {  	_ =	shalt  }
0x76: {  	_ =	shalt  }
0x77: {  	_ =	shalt  }
0x78: {  	_ =	shalt  }
0x79: {  	_ =	shalt  }
0x7a: {  	_ =	shalt  }
0x7b: {  	_ =	shalt  }
0x7c: {  	_ =	shalt  }
0x7d: {  	_ =	shalt  }
0x7e: {  	_ =	shalt  }
0x7f: {  	_ =	shalt  }
0x80: {  	_ =	shalt  }
0x81: {  	_ =	shalt  }
0x82: {  	_ =	shalt  }
0x83: {  	_ =	shalt  }
0x84: {  	_ =	shalt  }
0x85: {  	_ =	shalt  }
0x86: {  	_ =	shalt  }
0x87: {  	_ =	shalt  }
.Lfunc_end0:
.L_simem_size_0:
called_computation_lowered:
.L_overlay_start_0:
0x88: {  	s0 =	sld [smem:$0x3FD9]  }
0x89: {  	s1 =	sld [smem:$0x3FFE];
	_ =	sdelay $0x3  }
0x8a: {  	s0 =	sadd.s32 s1, s0  }
0x8b: {  	[smem:$0x3FC6] =	sst s0  }
0x8c: {  	_ = 	snop  }
0x8d: {  	s0 =	sld [smem:$0x3FC9]  }
0x8e: {  	s17 =	sld [smem:$0x3FC8]  }
0x8f: {  	s2 =	sld [smem:$0x3FD0];
	(tm) =	ssettm $0x1  }
0x90: {  	s3 =	sld [smem:$0x3FFB];
	_ =	sdelay $0x3  }
0x91: {  	_ =	strace s3  }
0x92: {  	s3 =	sld [smem:$0x3FFC];
	_ =	sdelay $0x3  }
0x93: {  	_ =	strace s3  }
0x94: {  	s3 =	sld [smem:$0x3FFD];
	_ =	sdelay $0x3  }
0x95: {  	_ =	strace s3  }
0x96: {  	_ =	strace $0x8FFFFFFF  }
0x97: {  	s18 =	sld [smem:$0x3FDB];
	_ =	sdelay $0x1  }
0x98: {  	s4 =	simm.s32 $_scs_section_size  }
0x99: {  	s5 =	simm.s32 $_size__tile_overlayer_lowered;
	s6 =	simm.s32 $_tile_overlayer_lowered  }
0x9a: {  	s21 =	simm.s32 $0x1BFF;
	s20 =	sshll.u32 s6, $0x1;
	s3 =	sadd.s32 s4, s18  }
0x9b: {  	s7 =	simm.s32 $0x0;
	s19 =	sshll.u32 s5, $0x1;
	s5 =	sadd.s32 s20, s3  }
0x9c: {  	[timem:s7], [sflag:s21] =	dma.local [hbm:s5], s19  }
0x9d: {  	_ =	swait.ge [sflag:s21], s19  }
0x9e: {  	s4 =	ssub.s32 $0x0, s19;
	[sflag:s21] =	ssyncset.done $0x0  }
0x9f: {  	[sflag:s21] =	ssyncadd.s32 s4;
	_ =	sdelay $0x1  }
0xa0: {  	s22 =	simm.s32 $0x1B8B  }
0xa1: {  	_ =	swait.ge [sflag:s22], $0x1  }
0xa2: {  	[sflag:s22] =	ssyncset.done $0x0  }
0xa3: {  	s23 =	simm.s32 $0x1B8E;
	[sflag:s22] =	ssyncadd.s32 $0xFFFFFFFF  }
0xa4: {  	s24 =	simm.s32 $execute0_lowered;
	[smem:$0x3FD2] =	sst s23  }
0xa5: {  	s4 =	sshll.u32 s24, $0x1;
	_ =	strace $0x80000046;
	[dreg:$0x1] =	wrdreg $0xFFFFFFFF  }
0xa6: {  	s25 =	simm.s32 $_size_execute0_lowered;
	s3 =	sadd.s32 s3, s4;
	[dreg:$0x0] =	wrdreg $0x0  }
0xa7: {  	s4 =	sshll.u32 s25, $0x1;
	[dreg:$0x2] =	wrdreg s3  }
0xa8: {  	[dreg:$0x3] =	wrdreg s4  }
0xa9: {  	[dreg:$0x4] =	wrdreg $0xC0  }
0xaa: {  	_ =	task [dreg:s7], $0x5FFFF  }
0xab: {  	[dreg:$0x1] =	wrdreg $0xFFFFFFFF  }
0xac: {  	[dreg:$0x0] =	wrdreg $0x60  }
0xad: {  	[dreg:$0x2] =	wrdreg s0  }
0xae: {  	[dreg:$0x3] =	wrdreg s17  }
0xaf: {  	[dreg:$0x4] =	wrdreg s2  }
0xb0: {  	[dreg:$0x5] =	wrdreg $0x79800  }
0xb1: {  	[dreg:$0x6] =	wrdreg $0x9  }
0xb2: {  	_ =	task.clear_ibuf [dreg:s7], $0x7FFFF;
	_ =	strace $0x90000046  }
0xb3: {  	s26 =	simm.s32 $0x9;
	_ =	strace $0x80000048  }
0xb4: {  	_ =	swait.ge [sflag:s26], $0x1  }
0xb5: {  	[sflag:s26] =	ssyncadd.s32 $0xFFFFFFFF  }
0xb6: {  	_ =	strace $0x90000048  }
0xb7: {  	_ =	sfence  }
0xb8: {  	s28 =	sld [smem:$0x0];
	_ =	sdelay $0x1  }
0xb9: {  	s29 =	srdreg.scid  }
0xba: {  	s30 =	sshll.u32 s29, $0xD;
	s31 =	sshrl.u32 s29, $0x2  }
0xbb: {  	s1 =	sand.u32 $0x1, s29;
	s2 =	sand.u32 $0x4000, s30;
	s0 =	sadd.s32 s31, s28  }
0xbc: {  	s1 =	sor.u32 s2, s1;
	s0 =	sshll.u32 s0, $0x11  }
0xbd: {  	s0 =	sor.u32 s0, s1  }
0xbe: {  	s0 =	sadd.s32 $0x8F2B, s0  }
0xbf: {  	[sflag:s0] =	ssyncadd.remote.s32 $0x1  }
0xc0: {  	_ =	sfence.sel $0xFFFF  }
0xc1: {  	[dreg:$0x0] =	wrdreg $0xFFFFFFFF;
	(pc) =	sbr.abs _section_cstart, $3  }
0xc2: {  	[dreg:$0x1] =	wrdreg $0xFFFFFFFF  }
0xc3: {  	_ =	task.clear_ibuf [dreg:s7], $0x2FFFF;
	_ =	strace $0x9FFFFFFF  }
0xc4: {  	(tm) =	ssettm $0x7FFFFFFF  }
0xc5: {  	_ =	shalt  }
tec
execute0_lowered:
.L_overlay_start_1:
0x0: {  	(tag) =	ssettag $0x1  }
0x1: {  	s2 =	stileid.u32  }
0x2: {  	s0 =	smul.u32 $0xC, s2  }
0x3: {  	s9 =	smin.u32 s2, $0x4  }
0x4: {  	s16 =	sand.u32 $0x3, s9;
	s4 =	sadd.s32 s9, s0  }
0x5: {  	p1 =	sne.s32 s16, $0x0;
	p0 =	seq.s32 s4, $0x0  }
0x6: {  	p0 =	por !p0, !p1  }
0x7: {  	s0 =	simm.s32 $0x1;
	p0 =	por !p0, !p0  }
0x8: {  	s8 =	rddreg [dreg:$0x0];
	s1 =	sshrl.u32 s4, $0x2;
	s0 =	simm.s32 @!p0 $0x0  }
0x9: {  	s10 =	rddreg [dreg:$0x1];
	s5 =	ssub.s32 s1, s0  }
0xa: {  	s3 =	rddreg [dreg:$0x3];
	s6 =	simm.s32 $0x0;
	p0 =	slt.s32 s5, $0x2D  }
0xb: {  	[smem:$0x7FF] =	sst s6;
	s5 =	simm.s32 @!p0 $0x2D  }
0xc: {  	s1 =	rddreg [dreg:$0x2];
	s7 =	sshll.u32 s5, $0x9  }
0xd: {  	s0 =	rddreg [dreg:$0x4];
	s11 =	sshll.u32 s5, $0xC;
	s7 =	sand.u32 $0x1FFFFE00, s7  }
0xe: {  	_ =	strace $0x80000047;
	s13 =	sadd.s32 $0x1000, s11;
	s12 =	sadd.s32 s8, s7  }
0xf: {  	[tilespmem:s6], [sflag:$0x1] =	stream.linear.gather [hbm4b:s12+s6], $0xF00, $0x38;
	[tilespmem:$0x7990] =	vst v63  }
0x10: {  	s17 =	sadd.s32 s10, s7;
	s13 =	sshrl.u32 s13, $0x3;
	s7 =	simm.s32 $0x3C00  }
0x11: {  	[tilespmem:s7], [sflag:$0x2] =	stream.linear.gather [hbm4b:s17+s6], $0xF00, $0x38;
	[tilespmem:$0x7990] =	vst v63  }
0x12: {  	s15 =	simm.s32 $0xF00;
	s14 =	sadd.s32 $0x2000, s11;
	s18 =	sadd.s32 s8, s13  }
0x13: {  	[tilespmem:s15], [sflag:$0x1] =	stream.linear.gather [hbm4b:s18+s6], $0xF00, $0x38;
	[tilespmem:$0x7990] =	vst v63  }
0x14: {  	s21 =	simm.s32 $0x4B00;
	s20 =	sshrl.u32 s14, $0x3;
	s19 =	sadd.s32 s10, s13  }
0x15: {  	[tilespmem:s21], [sflag:$0x2] =	stream.linear.gather [hbm4b:s19+s6], $0xF00, $0x38;
	[tilespmem:$0x7990] =	vst v63  }
0x16: {  	s23 =	simm.s32 $0x1E00;
	s11 =	sadd.s32 $0x3000, s11;
	s22 =	sadd.s32 s8, s20  }
0x17: {  	[tilespmem:s23], [sflag:$0x1] =	stream.linear.gather [hbm4b:s22+s6], $0xF00, $0x38;
	[tilespmem:$0x7990] =	vst v63  }
0x18: {  	s25 =	simm.s32 $0x5A00;
	s11 =	sshrl.u32 s11, $0x3;
	s24 =	sadd.s32 s10, s20  }
0x19: {  	[tilespmem:s25], [sflag:$0x2] =	stream.linear.gather [hbm4b:s24+s6], $0xF00, $0x38;
	[tilespmem:$0x7990] =	vst v63  }
0x1a: {  	s26 =	simm.s32 $0x2D00;
	s8 =	sadd.s32 s8, s11  }
0x1b: {  	[tilespmem:s26], [sflag:$0x1] =	stream.linear.gather [hbm4b:s8+s6], $0xF00, $0x38;
	[tilespmem:$0x7990] =	vst v63  }
0x1c: {  	s28 =	simm.s32 $0x1;
	s29 =	simm.s32 $0x6900;
	s10 =	sadd.s32 s10, s11  }
0x1d: {  	[tilespmem:s29], [sflag:$0x2] =	stream.linear.gather [hbm4b:s10+s6], $0xF00, $0x38;
	[tilespmem:$0x7990] =	vst v63  }
0x1e: {  	_ =	swait.ge [sflag:s28], $0xF00  }
0x1f: {  	[sflag:s28] =	ssyncset.done $0x0  }
0x20: {  	s30 =	simm.s32 $0x2;
	[sflag:s28] =	ssyncadd.s32 $0xFFFFF100  }
0x21: {  	_ =	swait.ge [sflag:s30], $0xF00  }
0x22: {  	[sflag:s30] =	ssyncset.done $0x0  }
0x23: {  	[sflag:s30] =	ssyncadd.s32 $0xFFFFF100  }
0x24: {  	_ =	swait.ge [sflag:s28], $0xF00  }
0x25: {  	[sflag:s28] =	ssyncset.done $0x0  }
0x26: {  	[sflag:s28] =	ssyncadd.s32 $0xFFFFF100  }
0x27: {  	_ =	swait.ge [sflag:s30], $0xF00  }
0x28: {  	[sflag:s30] =	ssyncset.done $0x0  }
0x29: {  	[sflag:s30] =	ssyncadd.s32 $0xFFFFF100  }
0x2a: {  	_ =	swait.ge [sflag:s28], $0xF00  }
0x2b: {  	[sflag:s28] =	ssyncset.done $0x0  }
0x2c: {  	[sflag:s28] =	ssyncadd.s32 $0xFFFFF100  }
0x2d: {  	_ =	swait.ge [sflag:s30], $0xF00  }
0x2e: {  	[sflag:s30] =	ssyncset.done $0x0  }
0x2f: {  	[sflag:s30] =	ssyncadd.s32 $0xFFFFF100  }
0x30: {  	_ =	swait.ge [sflag:s28], $0xF00  }
.Ltmp0:
0x31: {  	[sflag:s28] =	ssyncset.done $0x0;
	(pc) =	sbr.rel .LBB2_1-.Ltmp0, $4  }
0x32: {  	[sflag:s28] =	ssyncadd.s32 $0xFFFFF100  }
0x33: {  	s31 =	smul.u32 $0xC0, s2;
	s9 =	sshll.u32 s9, $0x4;
	_ =	swait.ge [sflag:s30], $0xF00  }
0x34: {  	p0 =	slt.u32 s2, $0x4;
	s8 =	simm.s32 $0xD;
	[sflag:s30] =	ssyncset.done $0x0  }
0x35: {  	v1 =	vimm.f32 $0.0e+00;
	v2 =	vlaneseq.u32;
	v0 =	vimm.f32 $0.0e+00;
	s9 =	sadd.s32 s9, s31;
	s8 =	simm.s32 @!p0 $0xC;
	[sflag:s30] =	ssyncadd.s32 $0xFFFFF100  }
.LBB2_3:
0x36: {  	s8 =	sadd.s32 $0xFFFFFFFF, s8  }
0x37: {  	p0 =	sne.s32 s8, $0x0  }
.Ltmp1:
0x38: {  	_ = 	snop;
	(pc) =	sbr.rel @!p0 .LBB2_4-.Ltmp1, $2  }
0x39: {  	_ =	sdelay $0x2  }
0x3a: {  	s4 =	sadd.s32 $0x1, s4;
	s9 =	sadd.s32 $0x10, s9;
	v0 =	vadd.f32 v3, v0  }
.LBB2_1:
0x3b: {  	s10 =	sshrl.u32 s4, $0x2  }
0x3c: {  	s11 =	ssub.s32 s10, s5  }
0x3d: {  	s11 =	smul.u32 $0x1E, s11;
	_ =	sdelay $0x1  }
0x3e: {  	s10 =	sshll.u32 s10, $0x6;
	v3 =	vmov s11  }
0x3f: {  	s10 =	ssub.s32 s9, s10;
	v3 =	vshll.u32 v3, $0x7  }
0x40: {  	v4 =	vmov s10;
	v3 =	vbroadcast v3, $0x0  }
0x41: {  	v5 =	vor.u32 s10, v2;
	v4 =	vand.u32 $0xFFFFFF80, v4  }
0x42: {  	v6 =	vand.u32 $0x7F, v5;
	v8 =	vadd.s32 v3, v4  }
0x43: {  	v7 =	vor.u32 v6, v8  }
0x44: {  	v3 =	vadd.s32 $0x200, v7;
	_ =	sdelay $0x4  }
0x45: {  	v9 =	vld.idx.msk [tilespmem:v3+s7+$0x0], $0xffff;
	_ =	sdelay $0x4  }
0x46: {  	vm0 =	vgt.f32 v9, $0.0e+00  }
0x47: {  	v4 =	vmpcnt.ones.xlane vm0;
	_ =	sdelay $0x1  }
0x48: {  	(v2sf) =	vpush v4, $0x0;
	_ =	sdelay $0x2  }
0x49: {  	v5 =	vadd.s32 $0x480, v7;
	_ =	sdelay $0x4  }
0x4a: {  	v10 =	vld.idx.msk [tilespmem:v5+s7+$0x0], $0xffff  }
0x4b: {  	v5 =	vld.idx.msk [tilespmem:v5+s6+$0x0], $0xffff  }
0x4c: {  	v4 =	vld.idx.msk [tilespmem:v3+s6+$0x0], $0xffff;
	_ =	sdelay $0x4  }
0x4d: {  	v10 =	vsub.f32 v5, v10;
	v3 =	vsub.f32 v4, v9;
	s31 =	spop (v2sf)  }
0x4e: {  	p0 =	slt.s32 s31, $0x1  }
.Ltmp2:
0x4f: {  	v10 =	vmul.f32 v10, v10;
	v3 =	vmul.f32 v3, v3;
	(pc) =	sbr.rel @p0 .LBB2_3-.Ltmp2, $4  }
0x50: {  	_ = 	snop  }
0x51: {  	vm1 =	veq.f32 v9, $0.0e+00;
	v3 =	vadd.f32 v10, v3  }
0x52: {  	v9 =	vsel vm1, $0x3F000000, v1  }
0x53: {  	v3 =	vmul.f32 v3, v9  }
0x54: {  	v6 =	vadd.s32 v6, v8  }
0x55: {  	v8 =	vadd.s32 $0x80, v6  }
0x56: {  	v9 =	vadd.s32 $0x100, v6  }
0x57: {  	v10 =	vadd.s32 $0x180, v6  }
0x58: {  	v11 =	vld.idx.msk [tilespmem:v7+s7+$0x0], $0xffff  }
0x59: {  	v57 =	vld.idx.msk [tilespmem:v7+s6+$0x0], $0xffff  }
0x5a: {  	v12 =	vld.idx.msk [tilespmem:v8+s7+$0x0], $0xffff  }
0x5b: {  	v15 =	vadd.s32 $0x280, v6;
	v13 =	vld.idx.msk [tilespmem:v9+s7+$0x0], $0xffff  }
0x5c: {  	v16 =	vadd.s32 $0x300, v6;
	v14 =	vld.idx.msk [tilespmem:v10+s7+$0x0], $0xffff  }
0x5d: {  	v17 =	vadd.s32 $0x380, v6;
	v8 =	vld.idx.msk [tilespmem:v8+s6+$0x0], $0xffff  }
0x5e: {  	v18 =	vadd.s32 $0x500, v6;
	v9 =	vld.idx.msk [tilespmem:v9+s6+$0x0], $0xffff  }
0x5f: {  	v10 =	vld.idx.msk [tilespmem:v10+s6+$0x0], $0xffff  }
0x60: {  	v19 =	vadd.s32 $0x580, v6;
	v15 =	vld.idx.msk [tilespmem:v15+s6+$0x0], $0xffff  }
0x61: {  	v23 =	vadd.s32 $0x600, v6;
	v16 =	vld.idx.msk [tilespmem:v16+s6+$0x0], $0xffff  }
0x62: {  	v17 =	vld.idx.msk [tilespmem:v17+s6+$0x0], $0xffff  }
0x63: {  	v27 =	vadd.s32 $0x700, v6;
	v22 =	vld.idx.msk [tilespmem:v18+s6+$0x0], $0xffff  }
0x64: {  	v58 =	vld.idx.msk [tilespmem:v18+s7+$0x0], $0xffff  }
0x65: {  	v60 =	vld.idx.msk [tilespmem:v19+s6+$0x0], $0xffff  }
0x66: {  	v21 =	vadd.s32 $0x400, v6;
	v63 =	vld.idx.msk [tilespmem:v23+s6+$0x0], $0xffff  }
0x67: {  	v47 =	vadd.s32 $0x900, v6;
	v23 =	vld.idx.msk [tilespmem:v23+s7+$0x0], $0xffff  }
0x68: {  	v40 =	vld.idx.msk [tilespmem:v27+s6+$0x0], $0xffff  }
0x69: {  	v24 =	vadd.s32 $0x680, v6;
	v31 =	vadd.s32 $0x780, v6;
	v41 =	vld.idx.msk [tilespmem:v27+s7+$0x0], $0xffff  }
0x6a: {  	v38 =	vadd.s32 $0x800, v6;
	v42 =	vadd.s32 $0x880, v6;
	v51 =	vadd.s32 $0x980, v6;
	v61 =	vld.idx.msk [tilespmem:v19+s7+$0x0], $0xffff  }
0x6b: {  	v55 =	vadd.s32 $0xA00, v6;
	v11 =	vmul.f32 $1.428571490e-01, v11;
	v7 =	vmul.f32 $1.428571490e-01, v57;
	v21 =	vld.idx.msk [tilespmem:v21+s6+$0x0], $0xffff  }
0x6c: {  	v35 =	vadd.s32 $0xC00, v6;
	v54 =	vld.idx.msk [tilespmem:v47+s6+$0x0], $0xffff;
	v13 =	vmul.f32 $5.000000000e-01, v13;
	v12 =	vmul.f32 $1.428571490e-01, v12  }
0x6d: {  	v57 =	vld.idx.msk [tilespmem:v47+s7+$0x0], $0xffff;
	v47 =	vadd.s32 $0xE00, v6;
	v14 =	vmul.f32 $5.000000000e-01, v14;
	v9 =	vmul.f32 $5.000000000e-01, v9  }
0x6e: {  	v36 =	vld.idx.msk [tilespmem:v24+s6+$0x0], $0xffff;
	v8 =	vmul.f32 $1.428571490e-01, v8;
	v23 =	vsub.f32 v63, v23;
	v18 =	vsub.f32 v40, v41  }
0x6f: {  	v37 =	vld.idx.msk [tilespmem:v24+s7+$0x0], $0xffff;
	v10 =	vmul.f32 $5.000000000e-01, v10;
	v20 =	vsub.f32 v11, v13;
	v11 =	vadd.f32 v13, v11  }
0x70: {  	v15 =	vmul.f32 $1.428571490e-01, v15;
	v13 =	vsub.f32 v12, v14;
	v12 =	vadd.f32 v14, v12  }
0x71: {  	v17 =	vmul.f32 $5.000000000e-01, v17;
	v59 =	vsub.f32 v7, v9;
	v7 =	vadd.f32 v9, v7  }
0x72: {  	v16 =	vmul.f32 $1.428571490e-01, v16;
	v25 =	vsub.f32 v8, v10;
	v8 =	vadd.f32 v10, v8  }
0x73: {  	v21 =	vmul.f32 $5.000000000e-01, v21;
	v14 =	vsub.f32 v22, v58;
	v9 =	vsub.f32 v60, v61  }
0x74: {  	v23 =	vmul.f32 v23, v23;
	v10 =	vsub.f32 v36, v37;
	v48 =	vsub.f32 v15, v17  }
0x75: {  	v49 =	vld.idx.msk [tilespmem:v42+s6+$0x0], $0xffff;
	v52 =	vmul.f32 v18, v18;
	v15 =	vadd.f32 v17, v15;
	v53 =	vsub.f32 v16, v21  }
0x76: {  	v50 =	vld.idx.msk [tilespmem:v42+s7+$0x0], $0xffff;
	v16 =	vadd.f32 v21, v16;
	v61 =	vadd.s32 $0xA80, v6;
	v37 =	vadd.s32 $0xC80, v6  }
0x77: {  	v62 =	vmin.f32 v7, v11;
	v26 =	vmax.f32 v59, v20;
	v28 =	vsub.f32 v11, v20  }
0x78: {  	v44 =	vld.idx.msk [tilespmem:v31+s6+$0x0], $0xffff;
	v29 =	vmin.f32 v8, v12;
	v14 =	vmul.f32 v14, v14;
	v9 =	vmul.f32 v9, v9  }
0x79: {  	v45 =	vld.idx.msk [tilespmem:v31+s7+$0x0], $0xffff;
	v30 =	vmax.f32 v25, v13;
	v32 =	vsub.f32 v12, v13;
	v7 =	vsub.f32 v7, v59  }
0x7a: {  	v46 =	vld.idx.msk [tilespmem:v38+s6+$0x0], $0xffff;
	v8 =	vsub.f32 v8, v25;
	v10 =	vmul.f32 v10, v10;
	v9 =	vadd.f32 v9, v14  }
0x7b: {  	v22 =	vld.idx.msk [tilespmem:v38+s7+$0x0], $0xffff;
	v11 =	vmin.f32 v15, v11;
	v59 =	vsub.f32 v49, v50;
	v63 =	vsub.f32 v16, v53  }
0x7c: {  	v20 =	vmax.f32 v48, v20;
	v19 =	vsub.f32 v62, v26;
	v9 =	vadd.f32 v23, v9  }
0x7d: {  	v12 =	vmin.f32 v16, v12;
	v29 =	vsub.f32 v29, v30;
	v11 =	vsub.f32 v11, v20  }
0x7e: {  	v13 =	vmax.f32 v53, v13;
	v14 =	vsub.f32 v44, v45;
	v9 =	vadd.f32 v10, v9  }
0x7f: {  	v27 =	vld.idx.msk [tilespmem:v55+s6+$0x0], $0xffff;
	v12 =	vsub.f32 v12, v13;
	v30 =	vadd.s32 $0xB80, v6;
	v39 =	vmul.f32 v32, v28  }
0x80: {  	v60 =	vld.idx.msk [tilespmem:v51+s6+$0x0], $0xffff;
	v58 =	vsub.f32 v46, v22;
	v56 =	vmul.f32 v14, v14;
	v9 =	vadd.f32 v52, v9  }
0x81: {  	v62 =	vld.idx.msk [tilespmem:v51+s7+$0x0], $0xffff;
	v7 =	vmul.f32 v8, v7;
	v8 =	vsub.f32 v15, v48;
	v28 =	vadd.s32 $0xB00, v6  }
0x82: {  	v41 =	vld.idx.msk [tilespmem:v35+s6+$0x0], $0xffff;
	v19 =	vmax.f32 v19, $0.0e+00;
	v21 =	vmul.f32 v58, v58;
	v9 =	vadd.f32 v56, v9  }
0x83: {  	v43 =	vmax.f32 v29, $0.0e+00;
	v29 =	vld.idx.msk [tilespmem:v55+s7+$0x0], $0xffff;
	v11 =	vmax.f32 v11, $0.0e+00;
	v12 =	vmax.f32 v12, $0.0e+00  }
0x84: {  	v32 =	vld.idx.msk [tilespmem:v61+s6+$0x0], $0xffff;
	v14 =	vsub.f32 v54, v57;
	v10 =	vmul.f32 v59, v59;
	v9 =	vadd.f32 v21, v9  }
0x85: {  	v34 =	vld.idx.msk [tilespmem:v61+s7+$0x0], $0xffff;
	v19 =	vmul.f32 v43, v19;
	v8 =	vmul.f32 v63, v8;
	v7 =	vadd.f32 v7, v39  }
0x86: {  	v31 =	vmul.f32 v14, v14;
	v33 =	vsub.f32 v60, v62;
	v36 =	vld.idx.msk [tilespmem:v28+s6+$0x0], $0xffff;
	v9 =	vadd.f32 v10, v9  }
0x87: {  	v11 =	vmul.f32 v12, v11;
	v7 =	vsub.f32 v7, v19;
	v8 =	vadd.f32 v8, v39;
	v17 =	vld.idx.msk [tilespmem:v28+s7+$0x0], $0xffff  }
0x88: {  	v38 =	vld.idx.msk [tilespmem:v30+s6+$0x0], $0xffff;
	v15 =	vmul.f32 v33, v33;
	v16 =	vsub.f32 v27, v29;
	v9 =	vadd.f32 v31, v9  }
0x89: {  	v40 =	vadd.s32 $0xD00, v6;
	v13 =	vld.idx.msk [tilespmem:v30+s7+$0x0], $0xffff;
	v7 =	vnsel vm0, $0x3F800000, v7;
	v8 =	vsub.f32 v8, v11  }
0x8a: {  	v53 =	vld.idx.msk [tilespmem:v47+s7+$0x0], $0xffff;
	v14 =	vsub.f32 v32, v34;
	v39 =	vmul.f32 v16, v16;
	v9 =	vadd.f32 v15, v9  }
0x8b: {  	v44 =	vadd.s32 $0xD80, v6;
	v43 =	vld.idx.msk [tilespmem:v35+s7+$0x0], $0xffff;
	(erf) = vrcp.f32 v7;
	v8 =	vnsel vm0, $0x3F800000, v8  }
0x8c: {  	v45 =	vld.idx.msk [tilespmem:v37+s6+$0x0], $0xffff;
	v14 =	vmul.f32 v14, v14;
	v10 =	vsub.f32 v36, v17;
	v42 =	vadd.f32 v39, v9  }
0x8d: {  	v6 =	vadd.s32 $0xE80, v6;
	v46 =	vld.idx.msk [tilespmem:v37+s7+$0x0], $0xffff;
	(erf) = vrcp.f32 v8  }
0x8e: {  	v49 =	vld.idx.msk [tilespmem:v40+s7+$0x0], $0xffff;
	v12 =	vsub.f32 v38, v13;
	v10 =	vmul.f32 v10, v10;
	v7 =	vadd.f32 v14, v42  }
0x8f: {  	v48 =	vld.idx.msk [tilespmem:v40+s6+$0x0], $0xffff  }
0x90: {  	v51 =	vld.idx.msk [tilespmem:v44+s6+$0x0], $0xffff;
	v50 =	vmul.f32 v12, v12;
	v9 =	vsub.f32 v41, v43;
	v7 =	vadd.f32 v10, v7  }
0x91: {  	v15 =	vld.idx.msk [tilespmem:v44+s7+$0x0], $0xffff  }
0x92: {  	v52 =	vld.idx.msk [tilespmem:v47+s6+$0x0], $0xffff;
	v8 =	vsub.f32 v45, v46;
	v9 =	vmul.f32 v9, v9;
	v7 =	vadd.f32 v50, v7  }
0x93: {  	v55 =	vld.idx.msk [tilespmem:v6+s6+$0x0], $0xffff  }
0x94: {  	v54 =	vsub.f32 v48, v49;
	v6 =	vld.idx.msk [tilespmem:v6+s7+$0x0], $0xffff;
	v8 =	vmul.f32 v8, v8;
	v7 =	vadd.f32 v9, v7;
	_ =	sdelay $0x1  }
0x95: {  	v58 =	vmul.f32 v54, v54;
	v56 =	vpop (erf);
	v59 =	vsub.f32 v51, v15;
	v7 =	vadd.f32 v8, v7  }
0x96: {  	v62 =	vsub.f32 v52, v53;
	v60 =	vmul.f32 v56, v19;
	v57 =	vpop (erf)  }
0x97: {  	v11 =	vmul.f32 v57, v11;
	v61 =	vmul.f32 v59, v59;
	v7 =	vadd.f32 v58, v7  }
0x98: {  	v6 =	vsub.f32 v55, v6  }
0x99: {  	v63 =	vmul.f32 v62, v62;
	vm1 =	vgt.f32 v11, v60;
	v7 =	vadd.f32 v61, v7  }
0x9a: {  	v4 =	vsel vm1, v5, v4;
	v5 =	vmax.f32 v60, v11  }
0x9b: {  	v6 =	vmul.f32 v6, v6;
	v4 =	vsub.f32 v4, v5;
	v5 =	vadd.f32 v63, v7;
	_ =	sdelay $0x1  }
0x9c: {  	v4 =	vmul.f32 v4, v4;
	v5 =	vadd.f32 v6, v5;
	_ =	sdelay $0x1  }
.Ltmp3:
0x9d: {  	v4 =	vadd.f32 v5, v4;
	(pc) =	sbr.rel .LBB2_3-.Ltmp3, $3  }
0x9e: {  	v5 =	vsel vm0, $0x3F800000, v1  }
0x9f: {  	v4 =	vmul.f32 v4, v5;
	_ =	sdelay $0x1  }
0xa0: {  	v3 =	vadd.f32 v4, v3  }
.LBB2_4:
0xa1: {  	s4 =	sshll.u32 s2, $0x4  }
0xa2: {  	s5 =	simm.s32 $0x7800;
	s31 =	simm.s32 $0x3;
	s4 =	sadd.s32 s4, s3;
	[tilespmem:$0x7800] =	vst v0  }
0xa3: {  	[spmem:s4] =	stream.linear.scatter [tilespmem:s5], [sflag:$0x3], $0x10, $0x38;
	[tilespmem:$0x7990] =	vst v63  }
0xa4: {  	_ =	swait.ge [sflag:s31], $0x10  }
0xa5: {  	[sflag:s31] =	ssyncset.done $0x0  }
0xa6: {  	[sflag:s31] =	ssyncadd.s32 $0xFFFFFFF0  }
0xa7: {  	p0 =	sne.s32 s2, $0x0;
	[bflag:$0x0] =	sbarrier.arrive $0xFFFF  }
0xa8: {  	_ =	sfence.sel @p0 $0x180000  }
0xa9: {  	[bflag:$0x0] =	sbarrier.arrive @p0 $0xFFFF  }
0xaa: {  	_ =	strace @p0 $0x90000047  }
0xab: {  	s2 =	simm.s32 @!p0 $0x7880;
	[bflag:$0x2] =	sbarrier.arrive @p0 $0xFFFF  }
0xac: {  	[tilespmem:s2], [sflag:$0x3] =	stream.linear.gather @!p0 [spmem:s3], $0x100, $0x38;
	[tilespmem:$0x7990] =	vst v63  }
0xad: {  	s2 =	simm.s32 @!p0 $0x3  }
0xae: {  	_ =	swait.ge @!p0 [sflag:s2], $0x100  }
0xaf: {  	[sflag:s2] =	ssyncset.done @!p0 $0x0  }
0xb0: {  	[sflag:s2] =	ssyncadd.s32 @!p0 $0xFFFFFF00  }
0xb1: {  	v0 =	vld @!p0 [tilespmem:$0x7880];
	_ =	sdelay $0x1  }
0xb2: {  	v1 =	vld @!p0 [tilespmem:$0x7890];
	_ =	sdelay $0x1  }
0xb3: {  	v2 =	vld @!p0 [tilespmem:$0x78A0]  }
0xb4: {  	v0 =	vadd.f32 @!p0 $0.0e+00, v0  }
0xb5: {  	v3 =	vld @!p0 [tilespmem:$0x78B0]  }
0xb6: {  	v0 =	vadd.f32 @!p0 v1, v0  }
0xb7: {  	v1 =	vld @!p0 [tilespmem:$0x78C0]  }
0xb8: {  	v0 =	vadd.f32 @!p0 v2, v0  }
0xb9: {  	v2 =	vld @!p0 [tilespmem:$0x78D0]  }
0xba: {  	v0 =	vadd.f32 @!p0 v3, v0  }
0xbb: {  	v3 =	vld @!p0 [tilespmem:$0x78E0]  }
0xbc: {  	v0 =	vadd.f32 @!p0 v1, v0  }
0xbd: {  	v1 =	vld @!p0 [tilespmem:$0x78F0]  }
0xbe: {  	v0 =	vadd.f32 @!p0 v2, v0  }
0xbf: {  	v2 =	vld @!p0 [tilespmem:$0x7900]  }
0xc0: {  	v0 =	vadd.f32 @!p0 v3, v0  }
0xc1: {  	v3 =	vld @!p0 [tilespmem:$0x7910]  }
0xc2: {  	v0 =	vadd.f32 @!p0 v1, v0  }
0xc3: {  	v1 =	vld @!p0 [tilespmem:$0x7920]  }
0xc4: {  	v0 =	vadd.f32 @!p0 v2, v0  }
0xc5: {  	v2 =	vld @!p0 [tilespmem:$0x7930]  }
0xc6: {  	v0 =	vadd.f32 @!p0 v3, v0  }
0xc7: {  	v3 =	vld @!p0 [tilespmem:$0x7940]  }
0xc8: {  	v0 =	vadd.f32 @!p0 v1, v0  }
0xc9: {  	v1 =	vld @!p0 [tilespmem:$0x7950]  }
0xca: {  	v0 =	vadd.f32 @!p0 v2, v0  }
0xcb: {  	v2 =	vld @!p0 [tilespmem:$0x7960]  }
0xcc: {  	v0 =	vadd.f32 @!p0 v3, v0  }
0xcd: {  	v3 =	vld @!p0 [tilespmem:$0x7970]  }
0xce: {  	v0 =	vadd.f32 @!p0 v1, v0;
	_ =	sdelay $0x1  }
0xcf: {  	v0 =	vadd.f32 @!p0 v2, v0;
	_ =	sdelay $0x1  }
0xd0: {  	v0 =	vadd.f32 @!p0 v3, v0;
	_ =	sdelay $0x1  }
0xd1: {  	(xrf2) =	vadd.scan.msk.f32 @!p0 $0xffff, v0;
	_ =	sdelay $0x9  }
0xd2: {  	v0, _, _ =	vpop @!p0 (xrf2)  }
0xd3: {  	(v2sf) =	vpush @!p0 v0, $0xF;
	_ =	sdelay $0xe  }
0xd4: {  	s3 =	spop @!p0 (v2sf)  }
0xd5: {  	s3 =	smul.f32 @!p0 $1.562500000e-02, s3;
	_ =	sdelay $0x1  }
0xd6: {  	v0 =	vmov @!p0 s3  }
0xd7: {  	s4 =	simm.s32 @!p0 $0x7800;
	s3 =	simm.s32 @!p0 $0x0;
	[tilespmem:$0x7800] =	vst @!p0 v0  }
0xd8: {  	[hbm4b:s1+s3] =	stream.linear.scatter @!p0 [tilespmem:s4], [sflag:$0x3], $0x80, $0x38;
	[tilespmem:$0x7990] =	vst v63  }
0xd9: {  	_ =	swait.ge @!p0 [sflag:s2], $0x80  }
0xda: {  	[sflag:s2] =	ssyncset.done @!p0 $0x0  }
0xdb: {  	[sflag:s2] =	ssyncadd.s32 @!p0 $0xFFFFFF80  }
0xdc: {  	_ =	sfence.sel @!p0 $0x180000  }
0xdd: {  	[bflag:$0x0] =	sbarrier.arrive @!p0 $0xFFFF  }
0xde: {  	_ =	strace @!p0 $0x90000047  }
0xdf: {  	s0 =	sadd.s32 @!p0 $0x100000, s0;
	[bflag:$0x2] =	sbarrier.arrive @!p0 $0xFFFF  }
0xe0: {  	[sflag:s0] =	ssyncadd.tile.s32 @!p0 $0x1;
	_ =	shalt  }
.Lfunc_end2:
_tile_overlayer_lowered:
.L_overlay_start_2:
0xe1: {  	(tag) =	ssettag $0x2  }
0xe2: {  	s0 =	rddreg [dreg:$0x0];
	s2 =	stileid.u32  }
0xe3: {  	s1 =	rddreg [dreg:$0x1];
	p0 =	sne.s32 s2, $0x0  }
0xe4: {  	s3 =	rddreg [dreg:$0x2];
	[bflag:$0x3] =	sbarrier.arrive $0xFFFF;
	s2 =	simm.s32 @!p0 $0x1C03  }
0xe5: {  	[timem:s3], [sflag:s2] =	dma.local @!p0 [hbm:s0], s1  }
0xe6: {  	s0 =	simm.s32 @!p0 $0x3  }
0xe7: {  	_ =	swait.ge @!p0 [sflag:s0], s1  }
0xe8: {  	s1 =	ssub.s32 @!p0 $0x0, s1;
	[sflag:s0] =	ssyncset.done @!p0 $0x0  }
0xe9: {  	[sflag:s0] =	ssyncadd.s32 @!p0 s1  }
0xea: {  	[bflag:$0x3] =	sbarrier.arrive $0xFFFF  }
0xeb: {  	_ =	shalt  }

</sc_bundles>
